<compile_context>
chip_gen: v7x
topology: tpu7x:2x2x1
jax: 0.10.2.dev20260603
libtpu: 0.0.44.dev20260713+nightly
codegen_flags: <defaults>
</compile_context>

<pallas_src>
import jax
from jax import lax
import jax.numpy as jnp
from jax.experimental import pallas as pl
from jax.experimental.pallas import tpu as pltpu
from jax.experimental.pallas import tpu_sc as plsc

_MAX_NORM = 100.0
_EPS = 1e-7

_PRESCALE_BLOCK = 10000
_ROWS_PER_CHUNK = 8


def _prescale_body(w_ref, o_ref):
    w = w_ref[...]
    norm = jnp.sqrt(jnp.sum(w * w, axis=1, keepdims=True))
    scale = jnp.where(norm > _MAX_NORM, _MAX_NORM / (norm + _EPS), 1.0)
    o_ref[...] = w * scale


def _prescale_table(weight):
    v, d = weight.shape
    return pl.pallas_call(
        _prescale_body,
        out_shape=jax.ShapeDtypeStruct((v, d), weight.dtype),
        grid=(v // _PRESCALE_BLOCK,),
        in_specs=[pl.BlockSpec((_PRESCALE_BLOCK, d), lambda i: (i, 0))],
        out_specs=pl.BlockSpec((_PRESCALE_BLOCK, d), lambda i: (i, 0)),
    )(weight)


def _sc_gather(table, x):
    b, s = x.shape
    d = table.shape[1]
    mesh = plsc.VectorSubcoreMesh(core_axis_name="core",
                                  subcore_axis_name="subcore")
    num_cores = 2
    num_subcores = 16
    num_workers = num_cores * num_subcores
    rows_per_worker = b // num_workers
    rc = _ROWS_PER_CHUNK
    n_chunks = rows_per_worker // rc

    @pl.kernel(
        out_type=jax.ShapeDtypeStruct((b, s, d), table.dtype),
        mesh=mesh,
        scratch_types=[
            pltpu.VMEM((rows_per_worker, s), jnp.int32),
            pltpu.VMEM((rc, s, d), jnp.float32),
            pltpu.VMEM((rc, s, d), jnp.float32),
            pltpu.SemaphoreType.DMA,
            pltpu.SemaphoreType.DMA,
            pltpu.SemaphoreType.DMA,
        ],
    )
    def gather_kernel(table_hbm, idx_hbm, out_hbm, idx_v, buf0, buf1,
                      gsem, osem0, osem1):
        wid = lax.axis_index("subcore") * num_cores + lax.axis_index("core")
        base = wid * rows_per_worker
        pltpu.sync_copy(idx_hbm.at[pl.ds(base, rows_per_worker)], idx_v)

        bufs = (buf0, buf1)
        osems = (osem0, osem1)

        def fill(c, buf):
            copies = [
                pltpu.async_copy(table_hbm.at[idx_v.at[c * rc + r]],
                                 buf.at[r], gsem)
                for r in range(rc)
            ]
            for cp in copies:
                cp.wait()

        def drain_out(buf, osem):
            pltpu.make_async_copy(buf, out_hbm.at[pl.ds(base, rc)], osem).wait()

        def fire_out(c, buf, osem):
            pltpu.async_copy(buf, out_hbm.at[pl.ds(base + c * rc, rc)], osem)

        fill(0, buf0)
        fire_out(0, buf0, osem0)
        fill(1, buf1)
        fire_out(1, buf1, osem1)

        @pl.loop(2, n_chunks)
        def _(c):
            @pl.when(c % 2 == 0)
            def _():
                drain_out(buf0, osem0)
                fill(c, buf0)
                fire_out(c, buf0, osem0)

            @pl.when(c % 2 == 1)
            def _():
                drain_out(buf1, osem1)
                fill(c, buf1)
                fire_out(c, buf1, osem1)

        drain_out(buf0, osem0)
        drain_out(buf1, osem1)

    return gather_kernel(table, x)


def kernel(x, weight):
    scaled = _prescale_table(weight)
    return _sc_gather(scaled, x)

# --- scband reference (transcript-rebuilt; emitter-appended) ---
"""Pipeline reference for scband-word-embedding-73486890435183 (READ-ONLY COPY).

The authoritative reference and input builder live on the scoring server;
editing this copy changes nothing except your own understanding.
"""

import jax, jax.numpy as jnp
import numpy as np

VOCAB = 100000
DIM = 128
PAD_IDX = 0
MAX_NORM = 100.0
EPS = 1e-7


def setup_inputs(seed: int = 0) -> dict:
    key = jax.random.key(seed)
    k1, k2 = jax.random.split(key)
    x = jax.random.randint(k1, (4096, 50), 0, VOCAB)
    weight = jax.random.normal(k2, (VOCAB, DIM), dtype=jnp.float32)
    # padding_idx row is zero-initialized in nn.Embedding
    weight = weight.at[PAD_IDX].set(0.0)
    return {"x": x, "weight": weight}


def reference(x, weight):
    # nn.Embedding lookup with max_norm=100.0, norm_type=2.0, padding_idx
    emb = jnp.take(weight, x, axis=0)
    # torch renormalizes rows whose L2 norm exceeds max_norm (applied at lookup)
    norm = jnp.linalg.norm(emb, ord=2, axis=-1, keepdims=True)
    scale = jnp.where(norm > MAX_NORM, MAX_NORM / (norm + EPS), 1.0)
    emb = emb * scale
    return emb

if __name__ == "__main__":
    import jax
    _d = setup_inputs()
    print(jax.jit(kernel)(*tuple(_d.values())))

</pallas_src>

<mosaic_0001>
#map = affine_map<(d0, d1) -> (0, 0)>
#map1 = affine_map<(d0, d1) -> (0, 0, 0)>
module attributes {stable_mosaic.version = 14 : i64} {
  func.func @gather_kernel(%arg0: i32, %arg1: i32, %arg2: memref<100000x128xf32, #tpu.memory_space<hbm>>, %arg3: memref<4096x50xi32, #tpu.memory_space<hbm>>, %arg4: memref<4096x50x128xf32, #tpu.memory_space<hbm>>, %arg5: memref<128x50xi32, #tpu.memory_space<vmem>>, %arg6: memref<8x50x128xf32, #tpu.memory_space<vmem>>, %arg7: memref<8x50x128xf32, #tpu.memory_space<vmem>>, %arg8: memref<!tpu.dma_semaphore, #tpu.memory_space<semaphore_mem>>, %arg9: memref<!tpu.dma_semaphore, #tpu.memory_space<semaphore_mem>>, %arg10: memref<!tpu.dma_semaphore, #tpu.memory_space<semaphore_mem>>) attributes {dimension_semantics = [#tpu.dimension_semantics<core_parallel>, #tpu.dimension_semantics<subcore_parallel>], iteration_bounds = array<i64: 2, 16>, scalar_prefetch = 0 : i64, scratch_operands = 6 : i64, tpu.core_type = #tpu.core_type<sc_vector_subcore>, window_params = [{transform_indices = #map}, {transform_indices = #map}, {transform_indices = #map1}]} {
    %mul3A = arith.constant 2 : i32
    %mul3A_0 = arith.muli %arg1, %mul3A : i32
    %add3A = arith.addi %mul3A_0, %arg0 : i32
    %mul3A_1 = arith.constant 128 : i32
    %mul3A_2 = arith.muli %add3A, %mul3A_1 : i32
    "tpu.region"() ({
      %run_scoped3A = tpu.sem_alloc : memref<!tpu.dma_semaphore, #tpu.memory_space<semaphore_mem>>
      %dma_start3A_417 = arith.constant 0 : i32
      %dma_start3A_418 = tpu.memref_slice %arg3[%mul3A_2, %dma_start3A_417] : memref<4096x50xi32, #tpu.memory_space<hbm>> -> memref<128x50xi32, #tpu.memory_space<hbm>>
      %dma_start3A_419 = arith.constant 0 : i32
      %dma_start3A_420 = tpu.memref_slice %arg3[%mul3A_2, %dma_start3A_419] : memref<4096x50xi32, #tpu.memory_space<hbm>> -> memref<128x50xi32, #tpu.memory_space<hbm>>
      tpu.enqueue_dma source(%dma_start3A_420 : memref<128x50xi32, #tpu.memory_space<hbm>>) target(%arg5 : memref<128x50xi32, #tpu.memory_space<vmem>>) target_semaphore(%run_scoped3A : memref<!tpu.dma_semaphore, #tpu.memory_space<semaphore_mem>>)
      %dma_wait3A_421 = arith.constant 0 : i32
      %dma_wait3A_422 = tpu.memref_slice %arg3[%mul3A_2, %dma_wait3A_421] : memref<4096x50xi32, #tpu.memory_space<hbm>> -> memref<128x50xi32, #tpu.memory_space<hbm>>
      %dma_wait3A_423 = arith.constant 0 : i32
      %dma_wait3A_424 = tpu.memref_slice %arg3[%mul3A_2, %dma_wait3A_423] : memref<4096x50xi32, #tpu.memory_space<hbm>> -> memref<128x50xi32, #tpu.memory_space<hbm>>
      tpu.wait_dma2 semaphore(%run_scoped3A : memref<!tpu.dma_semaphore, #tpu.memory_space<semaphore_mem>>) src(%dma_wait3A_424 : memref<128x50xi32, #tpu.memory_space<hbm>>) dst(%arg5 : memref<128x50xi32, #tpu.memory_space<vmem>>)
      tpu.yield
    }) : () -> ()
    %dma_start3A = arith.constant 0 : i32
    %dma_start3A_3 = arith.constant 0 : i32
    %dma_start3A_4 = arith.constant 0 : i32
    %dma_start3A_5 = arith.constant 0 : i32
    %dma_start3A_6 = tpu.memref_slice %arg6[%dma_start3A_3, %dma_start3A_4, %dma_start3A_5] : memref<8x50x128xf32, #tpu.memory_space<vmem>> -> memref<1x50x128xf32, #tpu.memory_space<vmem>>
    %dma_start3A_7 = tpu.memref_squeeze %dma_start3A_6 : memref<1x50x128xf32, #tpu.memory_space<vmem>> -> memref<50x128xf32, #tpu.memory_space<vmem>>
    %dma_start3A_8 = arith.constant 0 : i32
    %dma_start3A_9 = tpu.memref_slice %arg5[%dma_start3A, %dma_start3A_8] : memref<128x50xi32, #tpu.memory_space<vmem>> -> memref<1x50xi32, #tpu.memory_space<vmem>>
    %dma_start3A_10 = tpu.memref_squeeze %dma_start3A_9 : memref<1x50xi32, #tpu.memory_space<vmem>> -> memref<50xi32, #tpu.memory_space<vmem>>
    %dma_start3A_11 = arith.constant 0 : i32
    %dma_start3A_12 = arith.constant 0 : i32
    %dma_start3A_13 = tpu.memref_slice %arg2[%dma_start3A_11, %dma_start3A_12] : memref<100000x128xf32, #tpu.memory_space<hbm>> -> memref<100000x128xf32, #tpu.memory_space<hbm>>
    tpu.enqueue_indirect_dma source(%dma_start3A_13 : memref<100000x128xf32, #tpu.memory_space<hbm>>) target(%dma_start3A_7 : memref<50x128xf32, #tpu.memory_space<vmem>>) offsets(%dma_start3A_10 : memref<50xi32, #tpu.memory_space<vmem>>) semaphore(%arg8 : memref<!tpu.dma_semaphore, #tpu.memory_space<semaphore_mem>>)
    %dma_start3A_14 = arith.constant 1 : i32
    %dma_start3A_15 = arith.constant 1 : i32
    %dma_start3A_16 = arith.constant 0 : i32
    %dma_start3A_17 = arith.constant 0 : i32
    %dma_start3A_18 = tpu.memref_slice %arg6[%dma_start3A_15, %dma_start3A_16, %dma_start3A_17] : memref<8x50x128xf32, #tpu.memory_space<vmem>> -> memref<1x50x128xf32, #tpu.memory_space<vmem>>
    %dma_start3A_19 = tpu.memref_squeeze %dma_start3A_18 : memref<1x50x128xf32, #tpu.memory_space<vmem>> -> memref<50x128xf32, #tpu.memory_space<vmem>>
    %dma_start3A_20 = arith.constant 0 : i32
    %dma_start3A_21 = tpu.memref_slice %arg5[%dma_start3A_14, %dma_start3A_20] : memref<128x50xi32, #tpu.memory_space<vmem>> -> memref<1x50xi32, #tpu.memory_space<vmem>>
    %dma_start3A_22 = tpu.memref_squeeze %dma_start3A_21 : memref<1x50xi32, #tpu.memory_space<vmem>> -> memref<50xi32, #tpu.memory_space<vmem>>
    %dma_start3A_23 = arith.constant 0 : i32
    %dma_start3A_24 = arith.constant 0 : i32
    %dma_start3A_25 = tpu.memref_slice %arg2[%dma_start3A_23, %dma_start3A_24] : memref<100000x128xf32, #tpu.memory_space<hbm>> -> memref<100000x128xf32, #tpu.memory_space<hbm>>
    tpu.enqueue_indirect_dma source(%dma_start3A_25 : memref<100000x128xf32, #tpu.memory_space<hbm>>) target(%dma_start3A_19 : memref<50x128xf32, #tpu.memory_space<vmem>>) offsets(%dma_start3A_22 : memref<50xi32, #tpu.memory_space<vmem>>) semaphore(%arg8 : memref<!tpu.dma_semaphore, #tpu.memory_space<semaphore_mem>>)
    %dma_start3A_26 = arith.constant 2 : i32
    %dma_start3A_27 = arith.constant 2 : i32
    %dma_start3A_28 = arith.constant 0 : i32
    %dma_start3A_29 = arith.constant 0 : i32
    %dma_start3A_30 = tpu.memref_slice %arg6[%dma_start3A_27, %dma_start3A_28, %dma_start3A_29] : memref<8x50x128xf32, #tpu.memory_space<vmem>> -> memref<1x50x128xf32, #tpu.memory_space<vmem>>
    %dma_start3A_31 = tpu.memref_squeeze %dma_start3A_30 : memref<1x50x128xf32, #tpu.memory_space<vmem>> -> memref<50x128xf32, #tpu.memory_space<vmem>>
    %dma_start3A_32 = arith.constant 0 : i32
    %dma_start3A_33 = tpu.memref_slice %arg5[%dma_start3A_26, %dma_start3A_32] : memref<128x50xi32, #tpu.memory_space<vmem>> -> memref<1x50xi32, #tpu.memory_space<vmem>>
    %dma_start3A_34 = tpu.memref_squeeze %dma_start3A_33 : memref<1x50xi32, #tpu.memory_space<vmem>> -> memref<50xi32, #tpu.memory_space<vmem>>
    %dma_start3A_35 = arith.constant 0 : i32
    %dma_start3A_36 = arith.constant 0 : i32
    %dma_start3A_37 = tpu.memref_slice %arg2[%dma_start3A_35, %dma_start3A_36] : memref<100000x128xf32, #tpu.memory_space<hbm>> -> memref<100000x128xf32, #tpu.memory_space<hbm>>
    tpu.enqueue_indirect_dma source(%dma_start3A_37 : memref<100000x128xf32, #tpu.memory_space<hbm>>) target(%dma_start3A_31 : memref<50x128xf32, #tpu.memory_space<vmem>>) offsets(%dma_start3A_34 : memref<50xi32, #tpu.memory_space<vmem>>) semaphore(%arg8 : memref<!tpu.dma_semaphore, #tpu.memory_space<semaphore_mem>>)
    %dma_start3A_38 = arith.constant 3 : i32
    %dma_start3A_39 = arith.constant 3 : i32
    %dma_start3A_40 = arith.constant 0 : i32
    %dma_start3A_41 = arith.constant 0 : i32
    %dma_start3A_42 = tpu.memref_slice %arg6[%dma_start3A_39, %dma_start3A_40, %dma_start3A_41] : memref<8x50x128xf32, #tpu.memory_space<vmem>> -> memref<1x50x128xf32, #tpu.memory_space<vmem>>
    %dma_start3A_43 = tpu.memref_squeeze %dma_start3A_42 : memref<1x50x128xf32, #tpu.memory_space<vmem>> -> memref<50x128xf32, #tpu.memory_space<vmem>>
    %dma_start3A_44 = arith.constant 0 : i32
    %dma_start3A_45 = tpu.memref_slice %arg5[%dma_start3A_38, %dma_start3A_44] : memref<128x50xi32, #tpu.memory_space<vmem>> -> memref<1x50xi32, #tpu.memory_space<vmem>>
    %dma_start3A_46 = tpu.memref_squeeze %dma_start3A_45 : memref<1x50xi32, #tpu.memory_space<vmem>> -> memref<50xi32, #tpu.memory_space<vmem>>
    %dma_start3A_47 = arith.constant 0 : i32
    %dma_start3A_48 = arith.constant 0 : i32
    %dma_start3A_49 = tpu.memref_slice %arg2[%dma_start3A_47, %dma_start3A_48] : memref<100000x128xf32, #tpu.memory_space<hbm>> -> memref<100000x128xf32, #tpu.memory_space<hbm>>
    tpu.enqueue_indirect_dma source(%dma_start3A_49 : memref<100000x128xf32, #tpu.memory_space<hbm>>) target(%dma_start3A_43 : memref<50x128xf32, #tpu.memory_space<vmem>>) offsets(%dma_start3A_46 : memref<50xi32, #tpu.memory_space<vmem>>) semaphore(%arg8 : memref<!tpu.dma_semaphore, #tpu.memory_space<semaphore_mem>>)
    %dma_start3A_50 = arith.constant 4 : i32
    %dma_start3A_51 = arith.constant 4 : i32
    %dma_start3A_52 = arith.constant 0 : i32
    %dma_start3A_53 = arith.constant 0 : i32
    %dma_start3A_54 = tpu.memref_slice %arg6[%dma_start3A_51, %dma_start3A_52, %dma_start3A_53] : memref<8x50x128xf32, #tpu.memory_space<vmem>> -> memref<1x50x128xf32, #tpu.memory_space<vmem>>
    %dma_start3A_55 = tpu.memref_squeeze %dma_start3A_54 : memref<1x50x128xf32, #tpu.memory_space<vmem>> -> memref<50x128xf32, #tpu.memory_space<vmem>>
    %dma_start3A_56 = arith.constant 0 : i32
    %dma_start3A_57 = tpu.memref_slice %arg5[%dma_start3A_50, %dma_start3A_56] : memref<128x50xi32, #tpu.memory_space<vmem>> -> memref<1x50xi32, #tpu.memory_space<vmem>>
    %dma_start3A_58 = tpu.memref_squeeze %dma_start3A_57 : memref<1x50xi32, #tpu.memory_space<vmem>> -> memref<50xi32, #tpu.memory_space<vmem>>
    %dma_start3A_59 = arith.constant 0 : i32
    %dma_start3A_60 = arith.constant 0 : i32
    %dma_start3A_61 = tpu.memref_slice %arg2[%dma_start3A_59, %dma_start3A_60] : memref<100000x128xf32, #tpu.memory_space<hbm>> -> memref<100000x128xf32, #tpu.memory_space<hbm>>
    tpu.enqueue_indirect_dma source(%dma_start3A_61 : memref<100000x128xf32, #tpu.memory_space<hbm>>) target(%dma_start3A_55 : memref<50x128xf32, #tpu.memory_space<vmem>>) offsets(%dma_start3A_58 : memref<50xi32, #tpu.memory_space<vmem>>) semaphore(%arg8 : memref<!tpu.dma_semaphore, #tpu.memory_space<semaphore_mem>>)
    %dma_start3A_62 = arith.constant 5 : i32
    %dma_start3A_63 = arith.constant 5 : i32
    %dma_start3A_64 = arith.constant 0 : i32
    %dma_start3A_65 = arith.constant 0 : i32
    %dma_start3A_66 = tpu.memref_slice %arg6[%dma_start3A_63, %dma_start3A_64, %dma_start3A_65] : memref<8x50x128xf32, #tpu.memory_space<vmem>> -> memref<1x50x128xf32, #tpu.memory_space<vmem>>
    %dma_start3A_67 = tpu.memref_squeeze %dma_start3A_66 : memref<1x50x128xf32, #tpu.memory_space<vmem>> -> memref<50x128xf32, #tpu.memory_space<vmem>>
    %dma_start3A_68 = arith.constant 0 : i32
    %dma_start3A_69 = tpu.memref_slice %arg5[%dma_start3A_62, %dma_start3A_68] : memref<128x50xi32, #tpu.memory_space<vmem>> -> memref<1x50xi32, #tpu.memory_space<vmem>>
    %dma_start3A_70 = tpu.memref_squeeze %dma_start3A_69 : memref<1x50xi32, #tpu.memory_space<vmem>> -> memref<50xi32, #tpu.memory_space<vmem>>
    %dma_start3A_71 = arith.constant 0 : i32
    %dma_start3A_72 = arith.constant 0 : i32
    %dma_start3A_73 = tpu.memref_slice %arg2[%dma_start3A_71, %dma_start3A_72] : memref<100000x128xf32, #tpu.memory_space<hbm>> -> memref<100000x128xf32, #tpu.memory_space<hbm>>
    tpu.enqueue_indirect_dma source(%dma_start3A_73 : memref<100000x128xf32, #tpu.memory_space<hbm>>) target(%dma_start3A_67 : memref<50x128xf32, #tpu.memory_space<vmem>>) offsets(%dma_start3A_70 : memref<50xi32, #tpu.memory_space<vmem>>) semaphore(%arg8 : memref<!tpu.dma_semaphore, #tpu.memory_space<semaphore_mem>>)
    %dma_start3A_74 = arith.constant 6 : i32
    %dma_start3A_75 = arith.constant 6 : i32
    %dma_start3A_76 = arith.constant 0 : i32
    %dma_start3A_77 = arith.constant 0 : i32
    %dma_start3A_78 = tpu.memref_slice %arg6[%dma_start3A_75, %dma_start3A_76, %dma_start3A_77] : memref<8x50x128xf32, #tpu.memory_space<vmem>> -> memref<1x50x128xf32, #tpu.memory_space<vmem>>
    %dma_start3A_79 = tpu.memref_squeeze %dma_start3A_78 : memref<1x50x128xf32, #tpu.memory_space<vmem>> -> memref<50x128xf32, #tpu.memory_space<vmem>>
    %dma_start3A_80 = arith.constant 0 : i32
    %dma_start3A_81 = tpu.memref_slice %arg5[%dma_start3A_74, %dma_start3A_80] : memref<128x50xi32, #tpu.memory_space<vmem>> -> memref<1x50xi32, #tpu.memory_space<vmem>>
    %dma_start3A_82 = tpu.memref_squeeze %dma_start3A_81 : memref<1x50xi32, #tpu.memory_space<vmem>> -> memref<50xi32, #tpu.memory_space<vmem>>
    %dma_start3A_83 = arith.constant 0 : i32
    %dma_start3A_84 = arith.constant 0 : i32
    %dma_start3A_85 = tpu.memref_slice %arg2[%dma_start3A_83, %dma_start3A_84] : memref<100000x128xf32, #tpu.memory_space<hbm>> -> memref<100000x128xf32, #tpu.memory_space<hbm>>
    tpu.enqueue_indirect_dma source(%dma_start3A_85 : memref<100000x128xf32, #tpu.memory_space<hbm>>) target(%dma_start3A_79 : memref<50x128xf32, #tpu.memory_space<vmem>>) offsets(%dma_start3A_82 : memref<50xi32, #tpu.memory_space<vmem>>) semaphore(%arg8 : memref<!tpu.dma_semaphore, #tpu.memory_space<semaphore_mem>>)
    %dma_start3A_86 = arith.constant 7 : i32
    %dma_start3A_87 = arith.constant 7 : i32
    %dma_start3A_88 = arith.constant 0 : i32
    %dma_start3A_89 = arith.constant 0 : i32
    %dma_start3A_90 = tpu.memref_slice %arg6[%dma_start3A_87, %dma_start3A_88, %dma_start3A_89] : memref<8x50x128xf32, #tpu.memory_space<vmem>> -> memref<1x50x128xf32, #tpu.memory_space<vmem>>
    %dma_start3A_91 = tpu.memref_squeeze %dma_start3A_90 : memref<1x50x128xf32, #tpu.memory_space<vmem>> -> memref<50x128xf32, #tpu.memory_space<vmem>>
    %dma_start3A_92 = arith.constant 0 : i32
    %dma_start3A_93 = tpu.memref_slice %arg5[%dma_start3A_86, %dma_start3A_92] : memref<128x50xi32, #tpu.memory_space<vmem>> -> memref<1x50xi32, #tpu.memory_space<vmem>>
    %dma_start3A_94 = tpu.memref_squeeze %dma_start3A_93 : memref<1x50xi32, #tpu.memory_space<vmem>> -> memref<50xi32, #tpu.memory_space<vmem>>
    %dma_start3A_95 = arith.constant 0 : i32
    %dma_start3A_96 = arith.constant 0 : i32
    %dma_start3A_97 = tpu.memref_slice %arg2[%dma_start3A_95, %dma_start3A_96] : memref<100000x128xf32, #tpu.memory_space<hbm>> -> memref<100000x128xf32, #tpu.memory_space<hbm>>
    tpu.enqueue_indirect_dma source(%dma_start3A_97 : memref<100000x128xf32, #tpu.memory_space<hbm>>) target(%dma_start3A_91 : memref<50x128xf32, #tpu.memory_space<vmem>>) offsets(%dma_start3A_94 : memref<50xi32, #tpu.memory_space<vmem>>) semaphore(%arg8 : memref<!tpu.dma_semaphore, #tpu.memory_space<semaphore_mem>>)
    %dma_wait3A = arith.constant 0 : i32
    %dma_wait3A_98 = arith.constant 0 : i32
    %dma_wait3A_99 = arith.constant 0 : i32
    %dma_wait3A_100 = arith.constant 0 : i32
    %dma_wait3A_101 = tpu.memref_slice %arg6[%dma_wait3A_98, %dma_wait3A_99, %dma_wait3A_100] : memref<8x50x128xf32, #tpu.memory_space<vmem>> -> memref<1x50x128xf32, #tpu.memory_space<vmem>>
    %dma_wait3A_102 = tpu.memref_squeeze %dma_wait3A_101 : memref<1x50x128xf32, #tpu.memory_space<vmem>> -> memref<50x128xf32, #tpu.memory_space<vmem>>
    %dma_wait3A_103 = arith.constant 0 : i32
    %dma_wait3A_104 = tpu.memref_slice %arg5[%dma_wait3A, %dma_wait3A_103] : memref<128x50xi32, #tpu.memory_space<vmem>> -> memref<1x50xi32, #tpu.memory_space<vmem>>
    %dma_wait3A_105 = tpu.memref_squeeze %dma_wait3A_104 : memref<1x50xi32, #tpu.memory_space<vmem>> -> memref<50xi32, #tpu.memory_space<vmem>>
    %dma_wait3A_106 = arith.constant 0 : i32
    %dma_wait3A_107 = arith.constant 0 : i32
    %dma_wait3A_108 = tpu.memref_slice %arg2[%dma_wait3A_106, %dma_wait3A_107] : memref<100000x128xf32, #tpu.memory_space<hbm>> -> memref<100000x128xf32, #tpu.memory_space<hbm>>
    tpu.wait_indirect_dma semaphore(%arg8 : memref<!tpu.dma_semaphore, #tpu.memory_space<semaphore_mem>>) src(%dma_wait3A_108 : memref<100000x128xf32, #tpu.memory_space<hbm>>) dst(%dma_wait3A_102 : memref<50x128xf32, #tpu.memory_space<vmem>>)
    %dma_wait3A_109 = arith.constant 1 : i32
    %dma_wait3A_110 = arith.constant 1 : i32
    %dma_wait3A_111 = arith.constant 0 : i32
    %dma_wait3A_112 = arith.constant 0 : i32
    %dma_wait3A_113 = tpu.memref_slice %arg6[%dma_wait3A_110, %dma_wait3A_111, %dma_wait3A_112] : memref<8x50x128xf32, #tpu.memory_space<vmem>> -> memref<1x50x128xf32, #tpu.memory_space<vmem>>
    %dma_wait3A_114 = tpu.memref_squeeze %dma_wait3A_113 : memref<1x50x128xf32, #tpu.memory_space<vmem>> -> memref<50x128xf32, #tpu.memory_space<vmem>>
    %dma_wait3A_115 = arith.constant 0 : i32
    %dma_wait3A_116 = tpu.memref_slice %arg5[%dma_wait3A_109, %dma_wait3A_115] : memref<128x50xi32, #tpu.memory_space<vmem>> -> memref<1x50xi32, #tpu.memory_space<vmem>>
    %dma_wait3A_117 = tpu.memref_squeeze %dma_wait3A_116 : memref<1x50xi32, #tpu.memory_space<vmem>> -> memref<50xi32, #tpu.memory_space<vmem>>
    %dma_wait3A_118 = arith.constant 0 : i32
    %dma_wait3A_119 = arith.constant 0 : i32
    %dma_wait3A_120 = tpu.memref_slice %arg2[%dma_wait3A_118, %dma_wait3A_119] : memref<100000x128xf32, #tpu.memory_space<hbm>> -> memref<100000x128xf32, #tpu.memory_space<hbm>>
    tpu.wait_indirect_dma semaphore(%arg8 : memref<!tpu.dma_semaphore, #tpu.memory_space<semaphore_mem>>) src(%dma_wait3A_120 : memref<100000x128xf32, #tpu.memory_space<hbm>>) dst(%dma_wait3A_114 : memref<50x128xf32, #tpu.memory_space<vmem>>)
    %dma_wait3A_121 = arith.constant 2 : i32
    %dma_wait3A_122 = arith.constant 2 : i32
    %dma_wait3A_123 = arith.constant 0 : i32
    %dma_wait3A_124 = arith.constant 0 : i32
    %dma_wait3A_125 = tpu.memref_slice %arg6[%dma_wait3A_122, %dma_wait3A_123, %dma_wait3A_124] : memref<8x50x128xf32, #tpu.memory_space<vmem>> -> memref<1x50x128xf32, #tpu.memory_space<vmem>>
    %dma_wait3A_126 = tpu.memref_squeeze %dma_wait3A_125 : memref<1x50x128xf32, #tpu.memory_space<vmem>> -> memref<50x128xf32, #tpu.memory_space<vmem>>
    %dma_wait3A_127 = arith.constant 0 : i32
    %dma_wait3A_128 = tpu.memref_slice %arg5[%dma_wait3A_121, %dma_wait3A_127] : memref<128x50xi32, #tpu.memory_space<vmem>> -> memref<1x50xi32, #tpu.memory_space<vmem>>
    %dma_wait3A_129 = tpu.memref_squeeze %dma_wait3A_128 : memref<1x50xi32, #tpu.memory_space<vmem>> -> memref<50xi32, #tpu.memory_space<vmem>>
    %dma_wait3A_130 = arith.constant 0 : i32
    %dma_wait3A_131 = arith.constant 0 : i32
    %dma_wait3A_132 = tpu.memref_slice %arg2[%dma_wait3A_130, %dma_wait3A_131] : memref<100000x128xf32, #tpu.memory_space<hbm>> -> memref<100000x128xf32, #tpu.memory_space<hbm>>
    tpu.wait_indirect_dma semaphore(%arg8 : memref<!tpu.dma_semaphore, #tpu.memory_space<semaphore_mem>>) src(%dma_wait3A_132 : memref<100000x128xf32, #tpu.memory_space<hbm>>) dst(%dma_wait3A_126 : memref<50x128xf32, #tpu.memory_space<vmem>>)
    %dma_wait3A_133 = arith.constant 3 : i32
    %dma_wait3A_134 = arith.constant 3 : i32
    %dma_wait3A_135 = arith.constant 0 : i32
    %dma_wait3A_136 = arith.constant 0 : i32
    %dma_wait3A_137 = tpu.memref_slice %arg6[%dma_wait3A_134, %dma_wait3A_135, %dma_wait3A_136] : memref<8x50x128xf32, #tpu.memory_space<vmem>> -> memref<1x50x128xf32, #tpu.memory_space<vmem>>
    %dma_wait3A_138 = tpu.memref_squeeze %dma_wait3A_137 : memref<1x50x128xf32, #tpu.memory_space<vmem>> -> memref<50x128xf32, #tpu.memory_space<vmem>>
    %dma_wait3A_139 = arith.constant 0 : i32
    %dma_wait3A_140 = tpu.memref_slice %arg5[%dma_wait3A_133, %dma_wait3A_139] : memref<128x50xi32, #tpu.memory_space<vmem>> -> memref<1x50xi32, #tpu.memory_space<vmem>>
    %dma_wait3A_141 = tpu.memref_squeeze %dma_wait3A_140 : memref<1x50xi32, #tpu.memory_space<vmem>> -> memref<50xi32, #tpu.memory_space<vmem>>
    %dma_wait3A_142 = arith.constant 0 : i32
    %dma_wait3A_143 = arith.constant 0 : i32
    %dma_wait3A_144 = tpu.memref_slice %arg2[%dma_wait3A_142, %dma_wait3A_143] : memref<100000x128xf32, #tpu.memory_space<hbm>> -> memref<100000x128xf32, #tpu.memory_space<hbm>>
    tpu.wait_indirect_dma semaphore(%arg8 : memref<!tpu.dma_semaphore, #tpu.memory_space<semaphore_mem>>) src(%dma_wait3A_144 : memref<100000x128xf32, #tpu.memory_space<hbm>>) dst(%dma_wait3A_138 : memref<50x128xf32, #tpu.memory_space<vmem>>)
    %dma_wait3A_145 = arith.constant 4 : i32
    %dma_wait3A_146 = arith.constant 4 : i32
    %dma_wait3A_147 = arith.constant 0 : i32
    %dma_wait3A_148 = arith.constant 0 : i32
    %dma_wait3A_149 = tpu.memref_slice %arg6[%dma_wait3A_146, %dma_wait3A_147, %dma_wait3A_148] : memref<8x50x128xf32, #tpu.memory_space<vmem>> -> memref<1x50x128xf32, #tpu.memory_space<vmem>>
    %dma_wait3A_150 = tpu.memref_squeeze %dma_wait3A_149 : memref<1x50x128xf32, #tpu.memory_space<vmem>> -> memref<50x128xf32, #tpu.memory_space<vmem>>
    %dma_wait3A_151 = arith.constant 0 : i32
    %dma_wait3A_152 = tpu.memref_slice %arg5[%dma_wait3A_145, %dma_wait3A_151] : memref<128x50xi32, #tpu.memory_space<vmem>> -> memref<1x50xi32, #tpu.memory_space<vmem>>
    %dma_wait3A_153 = tpu.memref_squeeze %dma_wait3A_152 : memref<1x50xi32, #tpu.memory_space<vmem>> -> memref<50xi32, #tpu.memory_space<vmem>>
    %dma_wait3A_154 = arith.constant 0 : i32
    %dma_wait3A_155 = arith.constant 0 : i32
    %dma_wait3A_156 = tpu.memref_slice %arg2[%dma_wait3A_154, %dma_wait3A_155] : memref<100000x128xf32, #tpu.memory_space<hbm>> -> memref<100000x128xf32, #tpu.memory_space<hbm>>
    tpu.wait_indirect_dma semaphore(%arg8 : memref<!tpu.dma_semaphore, #tpu.memory_space<semaphore_mem>>) src(%dma_wait3A_156 : memref<100000x128xf32, #tpu.memory_space<hbm>>) dst(%dma_wait3A_150 : memref<50x128xf32, #tpu.memory_space<vmem>>)
    %dma_wait3A_157 = arith.constant 5 : i32
    %dma_wait3A_158 = arith.constant 5 : i32
    %dma_wait3A_159 = arith.constant 0 : i32
    %dma_wait3A_160 = arith.constant 0 : i32
    %dma_wait3A_161 = tpu.memref_slice %arg6[%dma_wait3A_158, %dma_wait3A_159, %dma_wait3A_160] : memref<8x50x128xf32, #tpu.memory_space<vmem>> -> memref<1x50x128xf32, #tpu.memory_space<vmem>>
    %dma_wait3A_162 = tpu.memref_squeeze %dma_wait3A_161 : memref<1x50x128xf32, #tpu.memory_space<vmem>> -> memref<50x128xf32, #tpu.memory_space<vmem>>
    %dma_wait3A_163 = arith.constant 0 : i32
    %dma_wait3A_164 = tpu.memref_slice %arg5[%dma_wait3A_157, %dma_wait3A_163] : memref<128x50xi32, #tpu.memory_space<vmem>> -> memref<1x50xi32, #tpu.memory_space<vmem>>
    %dma_wait3A_165 = tpu.memref_squeeze %dma_wait3A_164 : memref<1x50xi32, #tpu.memory_space<vmem>> -> memref<50xi32, #tpu.memory_space<vmem>>
    %dma_wait3A_166 = arith.constant 0 : i32
    %dma_wait3A_167 = arith.constant 0 : i32
    %dma_wait3A_168 = tpu.memref_slice %arg2[%dma_wait3A_166, %dma_wait3A_167] : memref<100000x128xf32, #tpu.memory_space<hbm>> -> memref<100000x128xf32, #tpu.memory_space<hbm>>
    tpu.wait_indirect_dma semaphore(%arg8 : memref<!tpu.dma_semaphore, #tpu.memory_space<semaphore_mem>>) src(%dma_wait3A_168 : memref<100000x128xf32, #tpu.memory_space<hbm>>) dst(%dma_wait3A_162 : memref<50x128xf32, #tpu.memory_space<vmem>>)
    %dma_wait3A_169 = arith.constant 6 : i32
    %dma_wait3A_170 = arith.constant 6 : i32
    %dma_wait3A_171 = arith.constant 0 : i32
    %dma_wait3A_172 = arith.constant 0 : i32
    %dma_wait3A_173 = tpu.memref_slice %arg6[%dma_wait3A_170, %dma_wait3A_171, %dma_wait3A_172] : memref<8x50x128xf32, #tpu.memory_space<vmem>> -> memref<1x50x128xf32, #tpu.memory_space<vmem>>
    %dma_wait3A_174 = tpu.memref_squeeze %dma_wait3A_173 : memref<1x50x128xf32, #tpu.memory_space<vmem>> -> memref<50x128xf32, #tpu.memory_space<vmem>>
    %dma_wait3A_175 = arith.constant 0 : i32
    %dma_wait3A_176 = tpu.memref_slice %arg5[%dma_wait3A_169, %dma_wait3A_175] : memref<128x50xi32, #tpu.memory_space<vmem>> -> memref<1x50xi32, #tpu.memory_space<vmem>>
    %dma_wait3A_177 = tpu.memref_squeeze %dma_wait3A_176 : memref<1x50xi32, #tpu.memory_space<vmem>> -> memref<50xi32, #tpu.memory_space<vmem>>
    %dma_wait3A_178 = arith.constant 0 : i32
    %dma_wait3A_179 = arith.constant 0 : i32
    %dma_wait3A_180 = tpu.memref_slice %arg2[%dma_wait3A_178, %dma_wait3A_179] : memref<100000x128xf32, #tpu.memory_space<hbm>> -> memref<100000x128xf32, #tpu.memory_space<hbm>>
    tpu.wait_indirect_dma semaphore(%arg8 : memref<!tpu.dma_semaphore, #tpu.memory_space<semaphore_mem>>) src(%dma_wait3A_180 : memref<100000x128xf32, #tpu.memory_space<hbm>>) dst(%dma_wait3A_174 : memref<50x128xf32, #tpu.memory_space<vmem>>)
    %dma_wait3A_181 = arith.constant 7 : i32
    %dma_wait3A_182 = arith.constant 7 : i32
    %dma_wait3A_183 = arith.constant 0 : i32
    %dma_wait3A_184 = arith.constant 0 : i32
    %dma_wait3A_185 = tpu.memref_slice %arg6[%dma_wait3A_182, %dma_wait3A_183, %dma_wait3A_184] : memref<8x50x128xf32, #tpu.memory_space<vmem>> -> memref<1x50x128xf32, #tpu.memory_space<vmem>>
    %dma_wait3A_186 = tpu.memref_squeeze %dma_wait3A_185 : memref<1x50x128xf32, #tpu.memory_space<vmem>> -> memref<50x128xf32, #tpu.memory_space<vmem>>
    %dma_wait3A_187 = arith.constant 0 : i32
    %dma_wait3A_188 = tpu.memref_slice %arg5[%dma_wait3A_181, %dma_wait3A_187] : memref<128x50xi32, #tpu.memory_space<vmem>> -> memref<1x50xi32, #tpu.memory_space<vmem>>
    %dma_wait3A_189 = tpu.memref_squeeze %dma_wait3A_188 : memref<1x50xi32, #tpu.memory_space<vmem>> -> memref<50xi32, #tpu.memory_space<vmem>>
    %dma_wait3A_190 = arith.constant 0 : i32
    %dma_wait3A_191 = arith.constant 0 : i32
    %dma_wait3A_192 = tpu.memref_slice %arg2[%dma_wait3A_190, %dma_wait3A_191] : memref<100000x128xf32, #tpu.memory_space<hbm>> -> memref<100000x128xf32, #tpu.memory_space<hbm>>
    tpu.wait_indirect_dma semaphore(%arg8 : memref<!tpu.dma_semaphore, #tpu.memory_space<semaphore_mem>>) src(%dma_wait3A_192 : memref<100000x128xf32, #tpu.memory_space<hbm>>) dst(%dma_wait3A_186 : memref<50x128xf32, #tpu.memory_space<vmem>>)
    %add3A_193 = arith.constant 0 : i32
    %add3A_194 = arith.addi %mul3A_2, %add3A_193 : i32
    %dma_start3A_195 = arith.constant 0 : i32
    %dma_start3A_196 = arith.constant 0 : i32
    %dma_start3A_197 = tpu.memref_slice %arg4[%add3A_194, %dma_start3A_195, %dma_start3A_196] : memref<4096x50x128xf32, #tpu.memory_space<hbm>> -> memref<8x50x128xf32, #tpu.memory_space<hbm>>
    %dma_start3A_198 = arith.constant 0 : i32
    %dma_start3A_199 = arith.constant 0 : i32
    %dma_start3A_200 = tpu.memref_slice %arg4[%add3A_194, %dma_start3A_198, %dma_start3A_199] : memref<4096x50x128xf32, #tpu.memory_space<hbm>> -> memref<8x50x128xf32, #tpu.memory_space<hbm>>
    tpu.enqueue_dma source(%arg6 : memref<8x50x128xf32, #tpu.memory_space<vmem>>) target(%dma_start3A_200 : memref<8x50x128xf32, #tpu.memory_space<hbm>>) target_semaphore(%arg9 : memref<!tpu.dma_semaphore, #tpu.memory_space<semaphore_mem>>)
    %dma_start3A_201 = arith.constant 8 : i32
    %dma_start3A_202 = arith.constant 0 : i32
    %dma_start3A_203 = arith.constant 0 : i32
    %dma_start3A_204 = arith.constant 0 : i32
    %dma_start3A_205 = tpu.memref_slice %arg7[%dma_start3A_202, %dma_start3A_203, %dma_start3A_204] : memref<8x50x128xf32, #tpu.memory_space<vmem>> -> memref<1x50x128xf32, #tpu.memory_space<vmem>>
    %dma_start3A_206 = tpu.memref_squeeze %dma_start3A_205 : memref<1x50x128xf32, #tpu.memory_space<vmem>> -> memref<50x128xf32, #tpu.memory_space<vmem>>
    %dma_start3A_207 = arith.constant 0 : i32
    %dma_start3A_208 = tpu.memref_slice %arg5[%dma_start3A_201, %dma_start3A_207] : memref<128x50xi32, #tpu.memory_space<vmem>> -> memref<1x50xi32, #tpu.memory_space<vmem>>
    %dma_start3A_209 = tpu.memref_squeeze %dma_start3A_208 : memref<1x50xi32, #tpu.memory_space<vmem>> -> memref<50xi32, #tpu.memory_space<vmem>>
    %dma_start3A_210 = arith.constant 0 : i32
    %dma_start3A_211 = arith.constant 0 : i32
    %dma_start3A_212 = tpu.memref_slice %arg2[%dma_start3A_210, %dma_start3A_211] : memref<100000x128xf32, #tpu.memory_space<hbm>> -> memref<100000x128xf32, #tpu.memory_space<hbm>>
    tpu.enqueue_indirect_dma source(%dma_start3A_212 : memref<100000x128xf32, #tpu.memory_space<hbm>>) target(%dma_start3A_206 : memref<50x128xf32, #tpu.memory_space<vmem>>) offsets(%dma_start3A_209 : memref<50xi32, #tpu.memory_space<vmem>>) semaphore(%arg8 : memref<!tpu.dma_semaphore, #tpu.memory_space<semaphore_mem>>)
    %dma_start3A_213 = arith.constant 9 : i32
    %dma_start3A_214 = arith.constant 1 : i32
    %dma_start3A_215 = arith.constant 0 : i32
    %dma_start3A_216 = arith.constant 0 : i32
    %dma_start3A_217 = tpu.memref_slice %arg7[%dma_start3A_214, %dma_start3A_215, %dma_start3A_216] : memref<8x50x128xf32, #tpu.memory_space<vmem>> -> memref<1x50x128xf32, #tpu.memory_space<vmem>>
    %dma_start3A_218 = tpu.memref_squeeze %dma_start3A_217 : memref<1x50x128xf32, #tpu.memory_space<vmem>> -> memref<50x128xf32, #tpu.memory_space<vmem>>
    %dma_start3A_219 = arith.constant 0 : i32
    %dma_start3A_220 = tpu.memref_slice %arg5[%dma_start3A_213, %dma_start3A_219] : memref<128x50xi32, #tpu.memory_space<vmem>> -> memref<1x50xi32, #tpu.memory_space<vmem>>
    %dma_start3A_221 = tpu.memref_squeeze %dma_start3A_220 : memref<1x50xi32, #tpu.memory_space<vmem>> -> memref<50xi32, #tpu.memory_space<vmem>>
    %dma_start3A_222 = arith.constant 0 : i32
    %dma_start3A_223 = arith.constant 0 : i32
    %dma_start3A_224 = tpu.memref_slice %arg2[%dma_start3A_222, %dma_start3A_223] : memref<100000x128xf32, #tpu.memory_space<hbm>> -> memref<100000x128xf32, #tpu.memory_space<hbm>>
    tpu.enqueue_indirect_dma source(%dma_start3A_224 : memref<100000x128xf32, #tpu.memory_space<hbm>>) target(%dma_start3A_218 : memref<50x128xf32, #tpu.memory_space<vmem>>) offsets(%dma_start3A_221 : memref<50xi32, #tpu.memory_space<vmem>>) semaphore(%arg8 : memref<!tpu.dma_semaphore, #tpu.memory_space<semaphore_mem>>)
    %dma_start3A_225 = arith.constant 10 : i32
    %dma_start3A_226 = arith.constant 2 : i32
    %dma_start3A_227 = arith.constant 0 : i32
    %dma_start3A_228 = arith.constant 0 : i32
    %dma_start3A_229 = tpu.memref_slice %arg7[%dma_start3A_226, %dma_start3A_227, %dma_start3A_228] : memref<8x50x128xf32, #tpu.memory_space<vmem>> -> memref<1x50x128xf32, #tpu.memory_space<vmem>>
    %dma_start3A_230 = tpu.memref_squeeze %dma_start3A_229 : memref<1x50x128xf32, #tpu.memory_space<vmem>> -> memref<50x128xf32, #tpu.memory_space<vmem>>
    %dma_start3A_231 = arith.constant 0 : i32
    %dma_start3A_232 = tpu.memref_slice %arg5[%dma_start3A_225, %dma_start3A_231] : memref<128x50xi32, #tpu.memory_space<vmem>> -> memref<1x50xi32, #tpu.memory_space<vmem>>
    %dma_start3A_233 = tpu.memref_squeeze %dma_start3A_232 : memref<1x50xi32, #tpu.memory_space<vmem>> -> memref<50xi32, #tpu.memory_space<vmem>>
    %dma_start3A_234 = arith.constant 0 : i32
    %dma_start3A_235 = arith.constant 0 : i32
    %dma_start3A_236 = tpu.memref_slice %arg2[%dma_start3A_234, %dma_start3A_235] : memref<100000x128xf32, #tpu.memory_space<hbm>> -> memref<100000x128xf32, #tpu.memory_space<hbm>>
    tpu.enqueue_indirect_dma source(%dma_start3A_236 : memref<100000x128xf32, #tpu.memory_space<hbm>>) target(%dma_start3A_230 : memref<50x128xf32, #tpu.memory_space<vmem>>) offsets(%dma_start3A_233 : memref<50xi32, #tpu.memory_space<vmem>>) semaphore(%arg8 : memref<!tpu.dma_semaphore, #tpu.memory_space<semaphore_mem>>)
    %dma_start3A_237 = arith.constant 11 : i32
    %dma_start3A_238 = arith.constant 3 : i32
    %dma_start3A_239 = arith.constant 0 : i32
    %dma_start3A_240 = arith.constant 0 : i32
    %dma_start3A_241 = tpu.memref_slice %arg7[%dma_start3A_238, %dma_start3A_239, %dma_start3A_240] : memref<8x50x128xf32, #tpu.memory_space<vmem>> -> memref<1x50x128xf32, #tpu.memory_space<vmem>>
    %dma_start3A_242 = tpu.memref_squeeze %dma_start3A_241 : memref<1x50x128xf32, #tpu.memory_space<vmem>> -> memref<50x128xf32, #tpu.memory_space<vmem>>
    %dma_start3A_243 = arith.constant 0 : i32
    %dma_start3A_244 = tpu.memref_slice %arg5[%dma_start3A_237, %dma_start3A_243] : memref<128x50xi32, #tpu.memory_space<vmem>> -> memref<1x50xi32, #tpu.memory_space<vmem>>
    %dma_start3A_245 = tpu.memref_squeeze %dma_start3A_244 : memref<1x50xi32, #tpu.memory_space<vmem>> -> memref<50xi32, #tpu.memory_space<vmem>>
    %dma_start3A_246 = arith.constant 0 : i32
    %dma_start3A_247 = arith.constant 0 : i32
    %dma_start3A_248 = tpu.memref_slice %arg2[%dma_start3A_246, %dma_start3A_247] : memref<100000x128xf32, #tpu.memory_space<hbm>> -> memref<100000x128xf32, #tpu.memory_space<hbm>>
    tpu.enqueue_indirect_dma source(%dma_start3A_248 : memref<100000x128xf32, #tpu.memory_space<hbm>>) target(%dma_start3A_242 : memref<50x128xf32, #tpu.memory_space<vmem>>) offsets(%dma_start3A_245 : memref<50xi32, #tpu.memory_space<vmem>>) semaphore(%arg8 : memref<!tpu.dma_semaphore, #tpu.memory_space<semaphore_mem>>)
    %dma_start3A_249 = arith.constant 12 : i32
    %dma_start3A_250 = arith.constant 4 : i32
    %dma_start3A_251 = arith.constant 0 : i32
    %dma_start3A_252 = arith.constant 0 : i32
    %dma_start3A_253 = tpu.memref_slice %arg7[%dma_start3A_250, %dma_start3A_251, %dma_start3A_252] : memref<8x50x128xf32, #tpu.memory_space<vmem>> -> memref<1x50x128xf32, #tpu.memory_space<vmem>>
    %dma_start3A_254 = tpu.memref_squeeze %dma_start3A_253 : memref<1x50x128xf32, #tpu.memory_space<vmem>> -> memref<50x128xf32, #tpu.memory_space<vmem>>
    %dma_start3A_255 = arith.constant 0 : i32
    %dma_start3A_256 = tpu.memref_slice %arg5[%dma_start3A_249, %dma_start3A_255] : memref<128x50xi32, #tpu.memory_space<vmem>> -> memref<1x50xi32, #tpu.memory_space<vmem>>
    %dma_start3A_257 = tpu.memref_squeeze %dma_start3A_256 : memref<1x50xi32, #tpu.memory_space<vmem>> -> memref<50xi32, #tpu.memory_space<vmem>>
    %dma_start3A_258 = arith.constant 0 : i32
    %dma_start3A_259 = arith.constant 0 : i32
    %dma_start3A_260 = tpu.memref_slice %arg2[%dma_start3A_258, %dma_start3A_259] : memref<100000x128xf32, #tpu.memory_space<hbm>> -> memref<100000x128xf32, #tpu.memory_space<hbm>>
    tpu.enqueue_indirect_dma source(%dma_start3A_260 : memref<100000x128xf32, #tpu.memory_space<hbm>>) target(%dma_start3A_254 : memref<50x128xf32, #tpu.memory_space<vmem>>) offsets(%dma_start3A_257 : memref<50xi32, #tpu.memory_space<vmem>>) semaphore(%arg8 : memref<!tpu.dma_semaphore, #tpu.memory_space<semaphore_mem>>)
    %dma_start3A_261 = arith.constant 13 : i32
    %dma_start3A_262 = arith.constant 5 : i32
    %dma_start3A_263 = arith.constant 0 : i32
    %dma_start3A_264 = arith.constant 0 : i32
    %dma_start3A_265 = tpu.memref_slice %arg7[%dma_start3A_262, %dma_start3A_263, %dma_start3A_264] : memref<8x50x128xf32, #tpu.memory_space<vmem>> -> memref<1x50x128xf32, #tpu.memory_space<vmem>>
    %dma_start3A_266 = tpu.memref_squeeze %dma_start3A_265 : memref<1x50x128xf32, #tpu.memory_space<vmem>> -> memref<50x128xf32, #tpu.memory_space<vmem>>
    %dma_start3A_267 = arith.constant 0 : i32
    %dma_start3A_268 = tpu.memref_slice %arg5[%dma_start3A_261, %dma_start3A_267] : memref<128x50xi32, #tpu.memory_space<vmem>> -> memref<1x50xi32, #tpu.memory_space<vmem>>
    %dma_start3A_269 = tpu.memref_squeeze %dma_start3A_268 : memref<1x50xi32, #tpu.memory_space<vmem>> -> memref<50xi32, #tpu.memory_space<vmem>>
    %dma_start3A_270 = arith.constant 0 : i32
    %dma_start3A_271 = arith.constant 0 : i32
    %dma_start3A_272 = tpu.memref_slice %arg2[%dma_start3A_270, %dma_start3A_271] : memref<100000x128xf32, #tpu.memory_space<hbm>> -> memref<100000x128xf32, #tpu.memory_space<hbm>>
    tpu.enqueue_indirect_dma source(%dma_start3A_272 : memref<100000x128xf32, #tpu.memory_space<hbm>>) target(%dma_start3A_266 : memref<50x128xf32, #tpu.memory_space<vmem>>) offsets(%dma_start3A_269 : memref<50xi32, #tpu.memory_space<vmem>>) semaphore(%arg8 : memref<!tpu.dma_semaphore, #tpu.memory_space<semaphore_mem>>)
    %dma_start3A_273 = arith.constant 14 : i32
    %dma_start3A_274 = arith.constant 6 : i32
    %dma_start3A_275 = arith.constant 0 : i32
    %dma_start3A_276 = arith.constant 0 : i32
    %dma_start3A_277 = tpu.memref_slice %arg7[%dma_start3A_274, %dma_start3A_275, %dma_start3A_276] : memref<8x50x128xf32, #tpu.memory_space<vmem>> -> memref<1x50x128xf32, #tpu.memory_space<vmem>>
    %dma_start3A_278 = tpu.memref_squeeze %dma_start3A_277 : memref<1x50x128xf32, #tpu.memory_space<vmem>> -> memref<50x128xf32, #tpu.memory_space<vmem>>
    %dma_start3A_279 = arith.constant 0 : i32
    %dma_start3A_280 = tpu.memref_slice %arg5[%dma_start3A_273, %dma_start3A_279] : memref<128x50xi32, #tpu.memory_space<vmem>> -> memref<1x50xi32, #tpu.memory_space<vmem>>
    %dma_start3A_281 = tpu.memref_squeeze %dma_start3A_280 : memref<1x50xi32, #tpu.memory_space<vmem>> -> memref<50xi32, #tpu.memory_space<vmem>>
    %dma_start3A_282 = arith.constant 0 : i32
    %dma_start3A_283 = arith.constant 0 : i32
    %dma_start3A_284 = tpu.memref_slice %arg2[%dma_start3A_282, %dma_start3A_283] : memref<100000x128xf32, #tpu.memory_space<hbm>> -> memref<100000x128xf32, #tpu.memory_space<hbm>>
    tpu.enqueue_indirect_dma source(%dma_start3A_284 : memref<100000x128xf32, #tpu.memory_space<hbm>>) target(%dma_start3A_278 : memref<50x128xf32, #tpu.memory_space<vmem>>) offsets(%dma_start3A_281 : memref<50xi32, #tpu.memory_space<vmem>>) semaphore(%arg8 : memref<!tpu.dma_semaphore, #tpu.memory_space<semaphore_mem>>)
    %dma_start3A_285 = arith.constant 15 : i32
    %dma_start3A_286 = arith.constant 7 : i32
    %dma_start3A_287 = arith.constant 0 : i32
    %dma_start3A_288 = arith.constant 0 : i32
    %dma_start3A_289 = tpu.memref_slice %arg7[%dma_start3A_286, %dma_start3A_287, %dma_start3A_288] : memref<8x50x128xf32, #tpu.memory_space<vmem>> -> memref<1x50x128xf32, #tpu.memory_space<vmem>>
    %dma_start3A_290 = tpu.memref_squeeze %dma_start3A_289 : memref<1x50x128xf32, #tpu.memory_space<vmem>> -> memref<50x128xf32, #tpu.memory_space<vmem>>
    %dma_start3A_291 = arith.constant 0 : i32
    %dma_start3A_292 = tpu.memref_slice %arg5[%dma_start3A_285, %dma_start3A_291] : memref<128x50xi32, #tpu.memory_space<vmem>> -> memref<1x50xi32, #tpu.memory_space<vmem>>
    %dma_start3A_293 = tpu.memref_squeeze %dma_start3A_292 : memref<1x50xi32, #tpu.memory_space<vmem>> -> memref<50xi32, #tpu.memory_space<vmem>>
    %dma_start3A_294 = arith.constant 0 : i32
    %dma_start3A_295 = arith.constant 0 : i32
    %dma_start3A_296 = tpu.memref_slice %arg2[%dma_start3A_294, %dma_start3A_295] : memref<100000x128xf32, #tpu.memory_space<hbm>> -> memref<100000x128xf32, #tpu.memory_space<hbm>>
    tpu.enqueue_indirect_dma source(%dma_start3A_296 : memref<100000x128xf32, #tpu.memory_space<hbm>>) target(%dma_start3A_290 : memref<50x128xf32, #tpu.memory_space<vmem>>) offsets(%dma_start3A_293 : memref<50xi32, #tpu.memory_space<vmem>>) semaphore(%arg8 : memref<!tpu.dma_semaphore, #tpu.memory_space<semaphore_mem>>)
    %dma_wait3A_297 = arith.constant 8 : i32
    %dma_wait3A_298 = arith.constant 0 : i32
    %dma_wait3A_299 = arith.constant 0 : i32
    %dma_wait3A_300 = arith.constant 0 : i32
    %dma_wait3A_301 = tpu.memref_slice %arg7[%dma_wait3A_298, %dma_wait3A_299, %dma_wait3A_300] : memref<8x50x128xf32, #tpu.memory_space<vmem>> -> memref<1x50x128xf32, #tpu.memory_space<vmem>>
    %dma_wait3A_302 = tpu.memref_squeeze %dma_wait3A_301 : memref<1x50x128xf32, #tpu.memory_space<vmem>> -> memref<50x128xf32, #tpu.memory_space<vmem>>
    %dma_wait3A_303 = arith.constant 0 : i32
    %dma_wait3A_304 = tpu.memref_slice %arg5[%dma_wait3A_297, %dma_wait3A_303] : memref<128x50xi32, #tpu.memory_space<vmem>> -> memref<1x50xi32, #tpu.memory_space<vmem>>
    %dma_wait3A_305 = tpu.memref_squeeze %dma_wait3A_304 : memref<1x50xi32, #tpu.memory_space<vmem>> -> memref<50xi32, #tpu.memory_space<vmem>>
    %dma_wait3A_306 = arith.constant 0 : i32
    %dma_wait3A_307 = arith.constant 0 : i32
    %dma_wait3A_308 = tpu.memref_slice %arg2[%dma_wait3A_306, %dma_wait3A_307] : memref<100000x128xf32, #tpu.memory_space<hbm>> -> memref<100000x128xf32, #tpu.memory_space<hbm>>
    tpu.wait_indirect_dma semaphore(%arg8 : memref<!tpu.dma_semaphore, #tpu.memory_space<semaphore_mem>>) src(%dma_wait3A_308 : memref<100000x128xf32, #tpu.memory_space<hbm>>) dst(%dma_wait3A_302 : memref<50x128xf32, #tpu.memory_space<vmem>>)
    %dma_wait3A_309 = arith.constant 9 : i32
    %dma_wait3A_310 = arith.constant 1 : i32
    %dma_wait3A_311 = arith.constant 0 : i32
    %dma_wait3A_312 = arith.constant 0 : i32
    %dma_wait3A_313 = tpu.memref_slice %arg7[%dma_wait3A_310, %dma_wait3A_311, %dma_wait3A_312] : memref<8x50x128xf32, #tpu.memory_space<vmem>> -> memref<1x50x128xf32, #tpu.memory_space<vmem>>
    %dma_wait3A_314 = tpu.memref_squeeze %dma_wait3A_313 : memref<1x50x128xf32, #tpu.memory_space<vmem>> -> memref<50x128xf32, #tpu.memory_space<vmem>>
    %dma_wait3A_315 = arith.constant 0 : i32
    %dma_wait3A_316 = tpu.memref_slice %arg5[%dma_wait3A_309, %dma_wait3A_315] : memref<128x50xi32, #tpu.memory_space<vmem>> -> memref<1x50xi32, #tpu.memory_space<vmem>>
    %dma_wait3A_317 = tpu.memref_squeeze %dma_wait3A_316 : memref<1x50xi32, #tpu.memory_space<vmem>> -> memref<50xi32, #tpu.memory_space<vmem>>
    %dma_wait3A_318 = arith.constant 0 : i32
    %dma_wait3A_319 = arith.constant 0 : i32
    %dma_wait3A_320 = tpu.memref_slice %arg2[%dma_wait3A_318, %dma_wait3A_319] : memref<100000x128xf32, #tpu.memory_space<hbm>> -> memref<100000x128xf32, #tpu.memory_space<hbm>>
    tpu.wait_indirect_dma semaphore(%arg8 : memref<!tpu.dma_semaphore, #tpu.memory_space<semaphore_mem>>) src(%dma_wait3A_320 : memref<100000x128xf32, #tpu.memory_space<hbm>>) dst(%dma_wait3A_314 : memref<50x128xf32, #tpu.memory_space<vmem>>)
    %dma_wait3A_321 = arith.constant 10 : i32
    %dma_wait3A_322 = arith.constant 2 : i32
    %dma_wait3A_323 = arith.constant 0 : i32
    %dma_wait3A_324 = arith.constant 0 : i32
    %dma_wait3A_325 = tpu.memref_slice %arg7[%dma_wait3A_322, %dma_wait3A_323, %dma_wait3A_324] : memref<8x50x128xf32, #tpu.memory_space<vmem>> -> memref<1x50x128xf32, #tpu.memory_space<vmem>>
    %dma_wait3A_326 = tpu.memref_squeeze %dma_wait3A_325 : memref<1x50x128xf32, #tpu.memory_space<vmem>> -> memref<50x128xf32, #tpu.memory_space<vmem>>
    %dma_wait3A_327 = arith.constant 0 : i32
    %dma_wait3A_328 = tpu.memref_slice %arg5[%dma_wait3A_321, %dma_wait3A_327] : memref<128x50xi32, #tpu.memory_space<vmem>> -> memref<1x50xi32, #tpu.memory_space<vmem>>
    %dma_wait3A_329 = tpu.memref_squeeze %dma_wait3A_328 : memref<1x50xi32, #tpu.memory_space<vmem>> -> memref<50xi32, #tpu.memory_space<vmem>>
    %dma_wait3A_330 = arith.constant 0 : i32
    %dma_wait3A_331 = arith.constant 0 : i32
    %dma_wait3A_332 = tpu.memref_slice %arg2[%dma_wait3A_330, %dma_wait3A_331] : memref<100000x128xf32, #tpu.memory_space<hbm>> -> memref<100000x128xf32, #tpu.memory_space<hbm>>
    tpu.wait_indirect_dma semaphore(%arg8 : memref<!tpu.dma_semaphore, #tpu.memory_space<semaphore_mem>>) src(%dma_wait3A_332 : memref<100000x128xf32, #tpu.memory_space<hbm>>) dst(%dma_wait3A_326 : memref<50x128xf32, #tpu.memory_space<vmem>>)
    %dma_wait3A_333 = arith.constant 11 : i32
    %dma_wait3A_334 = arith.constant 3 : i32
    %dma_wait3A_335 = arith.constant 0 : i32
    %dma_wait3A_336 = arith.constant 0 : i32
    %dma_wait3A_337 = tpu.memref_slice %arg7[%dma_wait3A_334, %dma_wait3A_335, %dma_wait3A_336] : memref<8x50x128xf32, #tpu.memory_space<vmem>> -> memref<1x50x128xf32, #tpu.memory_space<vmem>>
    %dma_wait3A_338 = tpu.memref_squeeze %dma_wait3A_337 : memref<1x50x128xf32, #tpu.memory_space<vmem>> -> memref<50x128xf32, #tpu.memory_space<vmem>>
    %dma_wait3A_339 = arith.constant 0 : i32
    %dma_wait3A_340 = tpu.memref_slice %arg5[%dma_wait3A_333, %dma_wait3A_339] : memref<128x50xi32, #tpu.memory_space<vmem>> -> memref<1x50xi32, #tpu.memory_space<vmem>>
    %dma_wait3A_341 = tpu.memref_squeeze %dma_wait3A_340 : memref<1x50xi32, #tpu.memory_space<vmem>> -> memref<50xi32, #tpu.memory_space<vmem>>
    %dma_wait3A_342 = arith.constant 0 : i32
    %dma_wait3A_343 = arith.constant 0 : i32
    %dma_wait3A_344 = tpu.memref_slice %arg2[%dma_wait3A_342, %dma_wait3A_343] : memref<100000x128xf32, #tpu.memory_space<hbm>> -> memref<100000x128xf32, #tpu.memory_space<hbm>>
    tpu.wait_indirect_dma semaphore(%arg8 : memref<!tpu.dma_semaphore, #tpu.memory_space<semaphore_mem>>) src(%dma_wait3A_344 : memref<100000x128xf32, #tpu.memory_space<hbm>>) dst(%dma_wait3A_338 : memref<50x128xf32, #tpu.memory_space<vmem>>)
    %dma_wait3A_345 = arith.constant 12 : i32
    %dma_wait3A_346 = arith.constant 4 : i32
    %dma_wait3A_347 = arith.constant 0 : i32
    %dma_wait3A_348 = arith.constant 0 : i32
    %dma_wait3A_349 = tpu.memref_slice %arg7[%dma_wait3A_346, %dma_wait3A_347, %dma_wait3A_348] : memref<8x50x128xf32, #tpu.memory_space<vmem>> -> memref<1x50x128xf32, #tpu.memory_space<vmem>>
    %dma_wait3A_350 = tpu.memref_squeeze %dma_wait3A_349 : memref<1x50x128xf32, #tpu.memory_space<vmem>> -> memref<50x128xf32, #tpu.memory_space<vmem>>
    %dma_wait3A_351 = arith.constant 0 : i32
    %dma_wait3A_352 = tpu.memref_slice %arg5[%dma_wait3A_345, %dma_wait3A_351] : memref<128x50xi32, #tpu.memory_space<vmem>> -> memref<1x50xi32, #tpu.memory_space<vmem>>
    %dma_wait3A_353 = tpu.memref_squeeze %dma_wait3A_352 : memref<1x50xi32, #tpu.memory_space<vmem>> -> memref<50xi32, #tpu.memory_space<vmem>>
    %dma_wait3A_354 = arith.constant 0 : i32
    %dma_wait3A_355 = arith.constant 0 : i32
    %dma_wait3A_356 = tpu.memref_slice %arg2[%dma_wait3A_354, %dma_wait3A_355] : memref<100000x128xf32, #tpu.memory_space<hbm>> -> memref<100000x128xf32, #tpu.memory_space<hbm>>
    tpu.wait_indirect_dma semaphore(%arg8 : memref<!tpu.dma_semaphore, #tpu.memory_space<semaphore_mem>>) src(%dma_wait3A_356 : memref<100000x128xf32, #tpu.memory_space<hbm>>) dst(%dma_wait3A_350 : memref<50x128xf32, #tpu.memory_space<vmem>>)
    %dma_wait3A_357 = arith.constant 13 : i32
    %dma_wait3A_358 = arith.constant 5 : i32
    %dma_wait3A_359 = arith.constant 0 : i32
    %dma_wait3A_360 = arith.constant 0 : i32
    %dma_wait3A_361 = tpu.memref_slice %arg7[%dma_wait3A_358, %dma_wait3A_359, %dma_wait3A_360] : memref<8x50x128xf32, #tpu.memory_space<vmem>> -> memref<1x50x128xf32, #tpu.memory_space<vmem>>
    %dma_wait3A_362 = tpu.memref_squeeze %dma_wait3A_361 : memref<1x50x128xf32, #tpu.memory_space<vmem>> -> memref<50x128xf32, #tpu.memory_space<vmem>>
    %dma_wait3A_363 = arith.constant 0 : i32
    %dma_wait3A_364 = tpu.memref_slice %arg5[%dma_wait3A_357, %dma_wait3A_363] : memref<128x50xi32, #tpu.memory_space<vmem>> -> memref<1x50xi32, #tpu.memory_space<vmem>>
    %dma_wait3A_365 = tpu.memref_squeeze %dma_wait3A_364 : memref<1x50xi32, #tpu.memory_space<vmem>> -> memref<50xi32, #tpu.memory_space<vmem>>
    %dma_wait3A_366 = arith.constant 0 : i32
    %dma_wait3A_367 = arith.constant 0 : i32
    %dma_wait3A_368 = tpu.memref_slice %arg2[%dma_wait3A_366, %dma_wait3A_367] : memref<100000x128xf32, #tpu.memory_space<hbm>> -> memref<100000x128xf32, #tpu.memory_space<hbm>>
    tpu.wait_indirect_dma semaphore(%arg8 : memref<!tpu.dma_semaphore, #tpu.memory_space<semaphore_mem>>) src(%dma_wait3A_368 : memref<100000x128xf32, #tpu.memory_space<hbm>>) dst(%dma_wait3A_362 : memref<50x128xf32, #tpu.memory_space<vmem>>)
    %dma_wait3A_369 = arith.constant 14 : i32
    %dma_wait3A_370 = arith.constant 6 : i32
    %dma_wait3A_371 = arith.constant 0 : i32
    %dma_wait3A_372 = arith.constant 0 : i32
    %dma_wait3A_373 = tpu.memref_slice %arg7[%dma_wait3A_370, %dma_wait3A_371, %dma_wait3A_372] : memref<8x50x128xf32, #tpu.memory_space<vmem>> -> memref<1x50x128xf32, #tpu.memory_space<vmem>>
    %dma_wait3A_374 = tpu.memref_squeeze %dma_wait3A_373 : memref<1x50x128xf32, #tpu.memory_space<vmem>> -> memref<50x128xf32, #tpu.memory_space<vmem>>
    %dma_wait3A_375 = arith.constant 0 : i32
    %dma_wait3A_376 = tpu.memref_slice %arg5[%dma_wait3A_369, %dma_wait3A_375] : memref<128x50xi32, #tpu.memory_space<vmem>> -> memref<1x50xi32, #tpu.memory_space<vmem>>
    %dma_wait3A_377 = tpu.memref_squeeze %dma_wait3A_376 : memref<1x50xi32, #tpu.memory_space<vmem>> -> memref<50xi32, #tpu.memory_space<vmem>>
    %dma_wait3A_378 = arith.constant 0 : i32
    %dma_wait3A_379 = arith.constant 0 : i32
    %dma_wait3A_380 = tpu.memref_slice %arg2[%dma_wait3A_378, %dma_wait3A_379] : memref<100000x128xf32, #tpu.memory_space<hbm>> -> memref<100000x128xf32, #tpu.memory_space<hbm>>
    tpu.wait_indirect_dma semaphore(%arg8 : memref<!tpu.dma_semaphore, #tpu.memory_space<semaphore_mem>>) src(%dma_wait3A_380 : memref<100000x128xf32, #tpu.memory_space<hbm>>) dst(%dma_wait3A_374 : memref<50x128xf32, #tpu.memory_space<vmem>>)
    %dma_wait3A_381 = arith.constant 15 : i32
    %dma_wait3A_382 = arith.constant 7 : i32
    %dma_wait3A_383 = arith.constant 0 : i32
    %dma_wait3A_384 = arith.constant 0 : i32
    %dma_wait3A_385 = tpu.memref_slice %arg7[%dma_wait3A_382, %dma_wait3A_383, %dma_wait3A_384] : memref<8x50x128xf32, #tpu.memory_space<vmem>> -> memref<1x50x128xf32, #tpu.memory_space<vmem>>
    %dma_wait3A_386 = tpu.memref_squeeze %dma_wait3A_385 : memref<1x50x128xf32, #tpu.memory_space<vmem>> -> memref<50x128xf32, #tpu.memory_space<vmem>>
    %dma_wait3A_387 = arith.constant 0 : i32
    %dma_wait3A_388 = tpu.memref_slice %arg5[%dma_wait3A_381, %dma_wait3A_387] : memref<128x50xi32, #tpu.memory_space<vmem>> -> memref<1x50xi32, #tpu.memory_space<vmem>>
    %dma_wait3A_389 = tpu.memref_squeeze %dma_wait3A_388 : memref<1x50xi32, #tpu.memory_space<vmem>> -> memref<50xi32, #tpu.memory_space<vmem>>
    %dma_wait3A_390 = arith.constant 0 : i32
    %dma_wait3A_391 = arith.constant 0 : i32
    %dma_wait3A_392 = tpu.memref_slice %arg2[%dma_wait3A_390, %dma_wait3A_391] : memref<100000x128xf32, #tpu.memory_space<hbm>> -> memref<100000x128xf32, #tpu.memory_space<hbm>>
    tpu.wait_indirect_dma semaphore(%arg8 : memref<!tpu.dma_semaphore, #tpu.memory_space<semaphore_mem>>) src(%dma_wait3A_392 : memref<100000x128xf32, #tpu.memory_space<hbm>>) dst(%dma_wait3A_386 : memref<50x128xf32, #tpu.memory_space<vmem>>)
    %add3A_393 = arith.constant 8 : i32
    %add3A_394 = arith.addi %mul3A_2, %add3A_393 : i32
    %dma_start3A_395 = arith.constant 0 : i32
    %dma_start3A_396 = arith.constant 0 : i32
    %dma_start3A_397 = tpu.memref_slice %arg4[%add3A_394, %dma_start3A_395, %dma_start3A_396] : memref<4096x50x128xf32, #tpu.memory_space<hbm>> -> memref<8x50x128xf32, #tpu.memory_space<hbm>>
    %dma_start3A_398 = arith.constant 0 : i32
    %dma_start3A_399 = arith.constant 0 : i32
    %dma_start3A_400 = tpu.memref_slice %arg4[%add3A_394, %dma_start3A_398, %dma_start3A_399] : memref<4096x50x128xf32, #tpu.memory_space<hbm>> -> memref<8x50x128xf32, #tpu.memory_space<hbm>>
    tpu.enqueue_dma source(%arg7 : memref<8x50x128xf32, #tpu.memory_space<vmem>>) target(%dma_start3A_400 : memref<8x50x128xf32, #tpu.memory_space<hbm>>) target_semaphore(%arg10 : memref<!tpu.dma_semaphore, #tpu.memory_space<semaphore_mem>>)
    %scan3A = arith.constant 0 : i32
    %scan3A_401 = arith.constant 14 : i32
    %scan3A_402 = arith.addi %scan3A, %scan3A_401 : i32
    %scan3A_403 = arith.constant 1 : i32
    scf.for %scan3A_417 = %scan3A to %scan3A_402 step %scan3A_403  : i32 {
      %mul3A_418 = arith.constant 1 : i32
      %mul3A_419 = arith.muli %scan3A_417, %mul3A_418 : i32
      %add3A_420 = arith.constant 2 : i32
      %add3A_421 = arith.addi %add3A_420, %mul3A_419 : i32
      %jit3A = arith.constant 2 : i32
      %eq3A = arith.constant 0 : i32
      %eq3A_422 = arith.cmpi eq, %jit3A, %eq3A : i32
      %jit3A_423 = arith.constant 1 : i32
      %select_n3A = arith.select %eq3A_422, %jit3A_423, %jit3A : i32
      %rem3A = arith.remsi %add3A_421, %select_n3A : i32
      %ne3A = arith.constant 0 : i32
      %ne3A_424 = arith.cmpi ne, %rem3A, %ne3A : i32
      %lt3A = arith.constant 0 : i32
      %lt3A_425 = arith.cmpi slt, %rem3A, %lt3A : i32
      %lt3A_426 = arith.constant 0 : i32
      %lt3A_427 = arith.cmpi slt, %select_n3A, %lt3A_426 : i32
      %ne3A_428 = arith.xori %lt3A_425, %lt3A_427 : i1
      %and3A = arith.andi %ne3A_428, %ne3A_424 : i1
      %add3A_429 = arith.addi %rem3A, %select_n3A : i32
      %select_n3A_430 = arith.select %and3A, %add3A_429, %rem3A : i32
      %eq3A_431 = arith.constant 0 : i32
      %eq3A_432 = arith.cmpi eq, %select_n3A_430, %eq3A_431 : i32
      %convert_element_type3A = arith.extui %eq3A_432 : i1 to i32
      %cond3A = arith.constant 0 : i32
      %cond3A_433 = arith.cmpi ne, %convert_element_type3A, %cond3A : i32
      scf.if %cond3A_433 {
        %dma_wait3A_455 = arith.constant 0 : i32
        %dma_wait3A_456 = arith.constant 0 : i32
        %dma_wait3A_457 = tpu.memref_slice %arg4[%mul3A_2, %dma_wait3A_455, %dma_wait3A_456] : memref<4096x50x128xf32, #tpu.memory_space<hbm>> -> memref<8x50x128xf32, #tpu.memory_space<hbm>>
        %dma_wait3A_458 = arith.constant 0 : i32
        %dma_wait3A_459 = arith.constant 0 : i32
        %dma_wait3A_460 = tpu.memref_slice %arg4[%mul3A_2, %dma_wait3A_458, %dma_wait3A_459] : memref<4096x50x128xf32, #tpu.memory_space<hbm>> -> memref<8x50x128xf32, #tpu.memory_space<hbm>>
        tpu.wait_dma2 semaphore(%arg9 : memref<!tpu.dma_semaphore, #tpu.memory_space<semaphore_mem>>) src(%arg6 : memref<8x50x128xf32, #tpu.memory_space<vmem>>) dst(%dma_wait3A_460 : memref<8x50x128xf32, #tpu.memory_space<hbm>>)
        %mul3A_461 = arith.constant 8 : i32
        %mul3A_462 = arith.muli %add3A_421, %mul3A_461 : i32
        %add3A_463 = arith.constant 0 : i32
        %add3A_464 = arith.addi %mul3A_462, %add3A_463 : i32
        %dma_start3A_465 = arith.constant 0 : i32
        %dma_start3A_466 = arith.constant 0 : i32
        %dma_start3A_467 = arith.constant 0 : i32
        %dma_start3A_468 = tpu.memref_slice %arg6[%dma_start3A_465, %dma_start3A_466, %dma_start3A_467] : memref<8x50x128xf32, #tpu.memory_space<vmem>> -> memref<1x50x128xf32, #tpu.memory_space<vmem>>
        %dma_start3A_469 = tpu.memref_squeeze %dma_start3A_468 : memref<1x50x128xf32, #tpu.memory_space<vmem>> -> memref<50x128xf32, #tpu.memory_space<vmem>>
        %dma_start3A_470 = arith.constant 0 : i32
        %dma_start3A_471 = tpu.memref_slice %arg5[%add3A_464, %dma_start3A_470] : memref<128x50xi32, #tpu.memory_space<vmem>> -> memref<1x50xi32, #tpu.memory_space<vmem>>
        %dma_start3A_472 = tpu.memref_squeeze %dma_start3A_471 : memref<1x50xi32, #tpu.memory_space<vmem>> -> memref<50xi32, #tpu.memory_space<vmem>>
        %dma_start3A_473 = arith.constant 0 : i32
        %dma_start3A_474 = arith.constant 0 : i32
        %dma_start3A_475 = tpu.memref_slice %arg2[%dma_start3A_473, %dma_start3A_474] : memref<100000x128xf32, #tpu.memory_space<hbm>> -> memref<100000x128xf32, #tpu.memory_space<hbm>>
        tpu.enqueue_indirect_dma source(%dma_start3A_475 : memref<100000x128xf32, #tpu.memory_space<hbm>>) target(%dma_start3A_469 : memref<50x128xf32, #tpu.memory_space<vmem>>) offsets(%dma_start3A_472 : memref<50xi32, #tpu.memory_space<vmem>>) semaphore(%arg8 : memref<!tpu.dma_semaphore, #tpu.memory_space<semaphore_mem>>)
        %mul3A_476 = arith.constant 8 : i32
        %mul3A_477 = arith.muli %add3A_421, %mul3A_476 : i32
        %add3A_478 = arith.constant 1 : i32
        %add3A_479 = arith.addi %mul3A_477, %add3A_478 : i32
        %dma_start3A_480 = arith.constant 1 : i32
        %dma_start3A_481 = arith.constant 0 : i32
        %dma_start3A_482 = arith.constant 0 : i32
        %dma_start3A_483 = tpu.memref_slice %arg6[%dma_start3A_480, %dma_start3A_481, %dma_start3A_482] : memref<8x50x128xf32, #tpu.memory_space<vmem>> -> memref<1x50x128xf32, #tpu.memory_space<vmem>>
        %dma_start3A_484 = tpu.memref_squeeze %dma_start3A_483 : memref<1x50x128xf32, #tpu.memory_space<vmem>> -> memref<50x128xf32, #tpu.memory_space<vmem>>
        %dma_start3A_485 = arith.constant 0 : i32
        %dma_start3A_486 = tpu.memref_slice %arg5[%add3A_479, %dma_start3A_485] : memref<128x50xi32, #tpu.memory_space<vmem>> -> memref<1x50xi32, #tpu.memory_space<vmem>>
        %dma_start3A_487 = tpu.memref_squeeze %dma_start3A_486 : memref<1x50xi32, #tpu.memory_space<vmem>> -> memref<50xi32, #tpu.memory_space<vmem>>
        %dma_start3A_488 = arith.constant 0 : i32
        %dma_start3A_489 = arith.constant 0 : i32
        %dma_start3A_490 = tpu.memref_slice %arg2[%dma_start3A_488, %dma_start3A_489] : memref<100000x128xf32, #tpu.memory_space<hbm>> -> memref<100000x128xf32, #tpu.memory_space<hbm>>
        tpu.enqueue_indirect_dma source(%dma_start3A_490 : memref<100000x128xf32, #tpu.memory_space<hbm>>) target(%dma_start3A_484 : memref<50x128xf32, #tpu.memory_space<vmem>>) offsets(%dma_start3A_487 : memref<50xi32, #tpu.memory_space<vmem>>) semaphore(%arg8 : memref<!tpu.dma_semaphore, #tpu.memory_space<semaphore_mem>>)
        %mul3A_491 = arith.constant 8 : i32
        %mul3A_492 = arith.muli %add3A_421, %mul3A_491 : i32
        %add3A_493 = arith.constant 2 : i32
        %add3A_494 = arith.addi %mul3A_492, %add3A_493 : i32
        %dma_start3A_495 = arith.constant 2 : i32
        %dma_start3A_496 = arith.constant 0 : i32
        %dma_start3A_497 = arith.constant 0 : i32
        %dma_start3A_498 = tpu.memref_slice %arg6[%dma_start3A_495, %dma_start3A_496, %dma_start3A_497] : memref<8x50x128xf32, #tpu.memory_space<vmem>> -> memref<1x50x128xf32, #tpu.memory_space<vmem>>
        %dma_start3A_499 = tpu.memref_squeeze %dma_start3A_498 : memref<1x50x128xf32, #tpu.memory_space<vmem>> -> memref<50x128xf32, #tpu.memory_space<vmem>>
        %dma_start3A_500 = arith.constant 0 : i32
        %dma_start3A_501 = tpu.memref_slice %arg5[%add3A_494, %dma_start3A_500] : memref<128x50xi32, #tpu.memory_space<vmem>> -> memref<1x50xi32, #tpu.memory_space<vmem>>
        %dma_start3A_502 = tpu.memref_squeeze %dma_start3A_501 : memref<1x50xi32, #tpu.memory_space<vmem>> -> memref<50xi32, #tpu.memory_space<vmem>>
        %dma_start3A_503 = arith.constant 0 : i32
        %dma_start3A_504 = arith.constant 0 : i32
        %dma_start3A_505 = tpu.memref_slice %arg2[%dma_start3A_503, %dma_start3A_504] : memref<100000x128xf32, #tpu.memory_space<hbm>> -> memref<100000x128xf32, #tpu.memory_space<hbm>>
        tpu.enqueue_indirect_dma source(%dma_start3A_505 : memref<100000x128xf32, #tpu.memory_space<hbm>>) target(%dma_start3A_499 : memref<50x128xf32, #tpu.memory_space<vmem>>) offsets(%dma_start3A_502 : memref<50xi32, #tpu.memory_space<vmem>>) semaphore(%arg8 : memref<!tpu.dma_semaphore, #tpu.memory_space<semaphore_mem>>)
        %mul3A_506 = arith.constant 8 : i32
        %mul3A_507 = arith.muli %add3A_421, %mul3A_506 : i32
        %add3A_508 = arith.constant 3 : i32
        %add3A_509 = arith.addi %mul3A_507, %add3A_508 : i32
        %dma_start3A_510 = arith.constant 3 : i32
        %dma_start3A_511 = arith.constant 0 : i32
        %dma_start3A_512 = arith.constant 0 : i32
        %dma_start3A_513 = tpu.memref_slice %arg6[%dma_start3A_510, %dma_start3A_511, %dma_start3A_512] : memref<8x50x128xf32, #tpu.memory_space<vmem>> -> memref<1x50x128xf32, #tpu.memory_space<vmem>>
        %dma_start3A_514 = tpu.memref_squeeze %dma_start3A_513 : memref<1x50x128xf32, #tpu.memory_space<vmem>> -> memref<50x128xf32, #tpu.memory_space<vmem>>
        %dma_start3A_515 = arith.constant 0 : i32
        %dma_start3A_516 = tpu.memref_slice %arg5[%add3A_509, %dma_start3A_515] : memref<128x50xi32, #tpu.memory_space<vmem>> -> memref<1x50xi32, #tpu.memory_space<vmem>>
        %dma_start3A_517 = tpu.memref_squeeze %dma_start3A_516 : memref<1x50xi32, #tpu.memory_space<vmem>> -> memref<50xi32, #tpu.memory_space<vmem>>
        %dma_start3A_518 = arith.constant 0 : i32
        %dma_start3A_519 = arith.constant 0 : i32
        %dma_start3A_520 = tpu.memref_slice %arg2[%dma_start3A_518, %dma_start3A_519] : memref<100000x128xf32, #tpu.memory_space<hbm>> -> memref<100000x128xf32, #tpu.memory_space<hbm>>
        tpu.enqueue_indirect_dma source(%dma_start3A_520 : memref<100000x128xf32, #tpu.memory_space<hbm>>) target(%dma_start3A_514 : memref<50x128xf32, #tpu.memory_space<vmem>>) offsets(%dma_start3A_517 : memref<50xi32, #tpu.memory_space<vmem>>) semaphore(%arg8 : memref<!tpu.dma_semaphore, #tpu.memory_space<semaphore_mem>>)
        %mul3A_521 = arith.constant 8 : i32
        %mul3A_522 = arith.muli %add3A_421, %mul3A_521 : i32
        %add3A_523 = arith.constant 4 : i32
        %add3A_524 = arith.addi %mul3A_522, %add3A_523 : i32
        %dma_start3A_525 = arith.constant 4 : i32
        %dma_start3A_526 = arith.constant 0 : i32
        %dma_start3A_527 = arith.constant 0 : i32
        %dma_start3A_528 = tpu.memref_slice %arg6[%dma_start3A_525, %dma_start3A_526, %dma_start3A_527] : memref<8x50x128xf32, #tpu.memory_space<vmem>> -> memref<1x50x128xf32, #tpu.memory_space<vmem>>
        %dma_start3A_529 = tpu.memref_squeeze %dma_start3A_528 : memref<1x50x128xf32, #tpu.memory_space<vmem>> -> memref<50x128xf32, #tpu.memory_space<vmem>>
        %dma_start3A_530 = arith.constant 0 : i32
        %dma_start3A_531 = tpu.memref_slice %arg5[%add3A_524, %dma_start3A_530] : memref<128x50xi32, #tpu.memory_space<vmem>> -> memref<1x50xi32, #tpu.memory_space<vmem>>
        %dma_start3A_532 = tpu.memref_squeeze %dma_start3A_531 : memref<1x50xi32, #tpu.memory_space<vmem>> -> memref<50xi32, #tpu.memory_space<vmem>>
        %dma_start3A_533 = arith.constant 0 : i32
        %dma_start3A_534 = arith.constant 0 : i32
        %dma_start3A_535 = tpu.memref_slice %arg2[%dma_start3A_533, %dma_start3A_534] : memref<100000x128xf32, #tpu.memory_space<hbm>> -> memref<100000x128xf32, #tpu.memory_space<hbm>>
        tpu.enqueue_indirect_dma source(%dma_start3A_535 : memref<100000x128xf32, #tpu.memory_space<hbm>>) target(%dma_start3A_529 : memref<50x128xf32, #tpu.memory_space<vmem>>) offsets(%dma_start3A_532 : memref<50xi32, #tpu.memory_space<vmem>>) semaphore(%arg8 : memref<!tpu.dma_semaphore, #tpu.memory_space<semaphore_mem>>)
        %mul3A_536 = arith.constant 8 : i32
        %mul3A_537 = arith.muli %add3A_421, %mul3A_536 : i32
        %add3A_538 = arith.constant 5 : i32
        %add3A_539 = arith.addi %mul3A_537, %add3A_538 : i32
        %dma_start3A_540 = arith.constant 5 : i32
        %dma_start3A_541 = arith.constant 0 : i32
        %dma_start3A_542 = arith.constant 0 : i32
        %dma_start3A_543 = tpu.memref_slice %arg6[%dma_start3A_540, %dma_start3A_541, %dma_start3A_542] : memref<8x50x128xf32, #tpu.memory_space<vmem>> -> memref<1x50x128xf32, #tpu.memory_space<vmem>>
        %dma_start3A_544 = tpu.memref_squeeze %dma_start3A_543 : memref<1x50x128xf32, #tpu.memory_space<vmem>> -> memref<50x128xf32, #tpu.memory_space<vmem>>
        %dma_start3A_545 = arith.constant 0 : i32
        %dma_start3A_546 = tpu.memref_slice %arg5[%add3A_539, %dma_start3A_545] : memref<128x50xi32, #tpu.memory_space<vmem>> -> memref<1x50xi32, #tpu.memory_space<vmem>>
        %dma_start3A_547 = tpu.memref_squeeze %dma_start3A_546 : memref<1x50xi32, #tpu.memory_space<vmem>> -> memref<50xi32, #tpu.memory_space<vmem>>
        %dma_start3A_548 = arith.constant 0 : i32
        %dma_start3A_549 = arith.constant 0 : i32
        %dma_start3A_550 = tpu.memref_slice %arg2[%dma_start3A_548, %dma_start3A_549] : memref<100000x128xf32, #tpu.memory_space<hbm>> -> memref<100000x128xf32, #tpu.memory_space<hbm>>
        tpu.enqueue_indirect_dma source(%dma_start3A_550 : memref<100000x128xf32, #tpu.memory_space<hbm>>) target(%dma_start3A_544 : memref<50x128xf32, #tpu.memory_space<vmem>>) offsets(%dma_start3A_547 : memref<50xi32, #tpu.memory_space<vmem>>) semaphore(%arg8 : memref<!tpu.dma_semaphore, #tpu.memory_space<semaphore_mem>>)
        %mul3A_551 = arith.constant 8 : i32
        %mul3A_552 = arith.muli %add3A_421, %mul3A_551 : i32
        %add3A_553 = arith.constant 6 : i32
        %add3A_554 = arith.addi %mul3A_552, %add3A_553 : i32
        %dma_start3A_555 = arith.constant 6 : i32
        %dma_start3A_556 = arith.constant 0 : i32
        %dma_start3A_557 = arith.constant 0 : i32
        %dma_start3A_558 = tpu.memref_slice %arg6[%dma_start3A_555, %dma_start3A_556, %dma_start3A_557] : memref<8x50x128xf32, #tpu.memory_space<vmem>> -> memref<1x50x128xf32, #tpu.memory_space<vmem>>
        %dma_start3A_559 = tpu.memref_squeeze %dma_start3A_558 : memref<1x50x128xf32, #tpu.memory_space<vmem>> -> memref<50x128xf32, #tpu.memory_space<vmem>>
        %dma_start3A_560 = arith.constant 0 : i32
        %dma_start3A_561 = tpu.memref_slice %arg5[%add3A_554, %dma_start3A_560] : memref<128x50xi32, #tpu.memory_space<vmem>> -> memref<1x50xi32, #tpu.memory_space<vmem>>
        %dma_start3A_562 = tpu.memref_squeeze %dma_start3A_561 : memref<1x50xi32, #tpu.memory_space<vmem>> -> memref<50xi32, #tpu.memory_space<vmem>>
        %dma_start3A_563 = arith.constant 0 : i32
        %dma_start3A_564 = arith.constant 0 : i32
        %dma_start3A_565 = tpu.memref_slice %arg2[%dma_start3A_563, %dma_start3A_564] : memref<100000x128xf32, #tpu.memory_space<hbm>> -> memref<100000x128xf32, #tpu.memory_space<hbm>>
        tpu.enqueue_indirect_dma source(%dma_start3A_565 : memref<100000x128xf32, #tpu.memory_space<hbm>>) target(%dma_start3A_559 : memref<50x128xf32, #tpu.memory_space<vmem>>) offsets(%dma_start3A_562 : memref<50xi32, #tpu.memory_space<vmem>>) semaphore(%arg8 : memref<!tpu.dma_semaphore, #tpu.memory_space<semaphore_mem>>)
        %mul3A_566 = arith.constant 8 : i32
        %mul3A_567 = arith.muli %add3A_421, %mul3A_566 : i32
        %add3A_568 = arith.constant 7 : i32
        %add3A_569 = arith.addi %mul3A_567, %add3A_568 : i32
        %dma_start3A_570 = arith.constant 7 : i32
        %dma_start3A_571 = arith.constant 0 : i32
        %dma_start3A_572 = arith.constant 0 : i32
        %dma_start3A_573 = tpu.memref_slice %arg6[%dma_start3A_570, %dma_start3A_571, %dma_start3A_572] : memref<8x50x128xf32, #tpu.memory_space<vmem>> -> memref<1x50x128xf32, #tpu.memory_space<vmem>>
        %dma_start3A_574 = tpu.memref_squeeze %dma_start3A_573 : memref<1x50x128xf32, #tpu.memory_space<vmem>> -> memref<50x128xf32, #tpu.memory_space<vmem>>
        %dma_start3A_575 = arith.constant 0 : i32
        %dma_start3A_576 = tpu.memref_slice %arg5[%add3A_569, %dma_start3A_575] : memref<128x50xi32, #tpu.memory_space<vmem>> -> memref<1x50xi32, #tpu.memory_space<vmem>>
        %dma_start3A_577 = tpu.memref_squeeze %dma_start3A_576 : memref<1x50xi32, #tpu.memory_space<vmem>> -> memref<50xi32, #tpu.memory_space<vmem>>
        %dma_start3A_578 = arith.constant 0 : i32
        %dma_start3A_579 = arith.constant 0 : i32
        %dma_start3A_580 = tpu.memref_slice %arg2[%dma_start3A_578, %dma_start3A_579] : memref<100000x128xf32, #tpu.memory_space<hbm>> -> memref<100000x128xf32, #tpu.memory_space<hbm>>
        tpu.enqueue_indirect_dma source(%dma_start3A_580 : memref<100000x128xf32, #tpu.memory_space<hbm>>) target(%dma_start3A_574 : memref<50x128xf32, #tpu.memory_space<vmem>>) offsets(%dma_start3A_577 : memref<50xi32, #tpu.memory_space<vmem>>) semaphore(%arg8 : memref<!tpu.dma_semaphore, #tpu.memory_space<semaphore_mem>>)
        %dma_wait3A_581 = arith.constant 0 : i32
        %dma_wait3A_582 = arith.constant 0 : i32
        %dma_wait3A_583 = arith.constant 0 : i32
        %dma_wait3A_584 = tpu.memref_slice %arg6[%dma_wait3A_581, %dma_wait3A_582, %dma_wait3A_583] : memref<8x50x128xf32, #tpu.memory_space<vmem>> -> memref<1x50x128xf32, #tpu.memory_space<vmem>>
        %dma_wait3A_585 = tpu.memref_squeeze %dma_wait3A_584 : memref<1x50x128xf32, #tpu.memory_space<vmem>> -> memref<50x128xf32, #tpu.memory_space<vmem>>
        %dma_wait3A_586 = arith.constant 0 : i32
        %dma_wait3A_587 = tpu.memref_slice %arg5[%add3A_464, %dma_wait3A_586] : memref<128x50xi32, #tpu.memory_space<vmem>> -> memref<1x50xi32, #tpu.memory_space<vmem>>
        %dma_wait3A_588 = tpu.memref_squeeze %dma_wait3A_587 : memref<1x50xi32, #tpu.memory_space<vmem>> -> memref<50xi32, #tpu.memory_space<vmem>>
        %dma_wait3A_589 = arith.constant 0 : i32
        %dma_wait3A_590 = arith.constant 0 : i32
        %dma_wait3A_591 = tpu.memref_slice %arg2[%dma_wait3A_589, %dma_wait3A_590] : memref<100000x128xf32, #tpu.memory_space<hbm>> -> memref<100000x128xf32, #tpu.memory_space<hbm>>
        tpu.wait_indirect_dma semaphore(%arg8 : memref<!tpu.dma_semaphore, #tpu.memory_space<semaphore_mem>>) src(%dma_wait3A_591 : memref<100000x128xf32, #tpu.memory_space<hbm>>) dst(%dma_wait3A_585 : memref<50x128xf32, #tpu.memory_space<vmem>>)
        %dma_wait3A_592 = arith.constant 1 : i32
        %dma_wait3A_593 = arith.constant 0 : i32
        %dma_wait3A_594 = arith.constant 0 : i32
        %dma_wait3A_595 = tpu.memref_slice %arg6[%dma_wait3A_592, %dma_wait3A_593, %dma_wait3A_594] : memref<8x50x128xf32, #tpu.memory_space<vmem>> -> memref<1x50x128xf32, #tpu.memory_space<vmem>>
        %dma_wait3A_596 = tpu.memref_squeeze %dma_wait3A_595 : memref<1x50x128xf32, #tpu.memory_space<vmem>> -> memref<50x128xf32, #tpu.memory_space<vmem>>
        %dma_wait3A_597 = arith.constant 0 : i32
        %dma_wait3A_598 = tpu.memref_slice %arg5[%add3A_479, %dma_wait3A_597] : memref<128x50xi32, #tpu.memory_space<vmem>> -> memref<1x50xi32, #tpu.memory_space<vmem>>
        %dma_wait3A_599 = tpu.memref_squeeze %dma_wait3A_598 : memref<1x50xi32, #tpu.memory_space<vmem>> -> memref<50xi32, #tpu.memory_space<vmem>>
        %dma_wait3A_600 = arith.constant 0 : i32
        %dma_wait3A_601 = arith.constant 0 : i32
        %dma_wait3A_602 = tpu.memref_slice %arg2[%dma_wait3A_600, %dma_wait3A_601] : memref<100000x128xf32, #tpu.memory_space<hbm>> -> memref<100000x128xf32, #tpu.memory_space<hbm>>
        tpu.wait_indirect_dma semaphore(%arg8 : memref<!tpu.dma_semaphore, #tpu.memory_space<semaphore_mem>>) src(%dma_wait3A_602 : memref<100000x128xf32, #tpu.memory_space<hbm>>) dst(%dma_wait3A_596 : memref<50x128xf32, #tpu.memory_space<vmem>>)
        %dma_wait3A_603 = arith.constant 2 : i32
        %dma_wait3A_604 = arith.constant 0 : i32
        %dma_wait3A_605 = arith.constant 0 : i32
        %dma_wait3A_606 = tpu.memref_slice %arg6[%dma_wait3A_603, %dma_wait3A_604, %dma_wait3A_605] : memref<8x50x128xf32, #tpu.memory_space<vmem>> -> memref<1x50x128xf32, #tpu.memory_space<vmem>>
        %dma_wait3A_607 = tpu.memref_squeeze %dma_wait3A_606 : memref<1x50x128xf32, #tpu.memory_space<vmem>> -> memref<50x128xf32, #tpu.memory_space<vmem>>
        %dma_wait3A_608 = arith.constant 0 : i32
        %dma_wait3A_609 = tpu.memref_slice %arg5[%add3A_494, %dma_wait3A_608] : memref<128x50xi32, #tpu.memory_space<vmem>> -> memref<1x50xi32, #tpu.memory_space<vmem>>
        %dma_wait3A_610 = tpu.memref_squeeze %dma_wait3A_609 : memref<1x50xi32, #tpu.memory_space<vmem>> -> memref<50xi32, #tpu.memory_space<vmem>>
        %dma_wait3A_611 = arith.constant 0 : i32
        %dma_wait3A_612 = arith.constant 0 : i32
        %dma_wait3A_613 = tpu.memref_slice %arg2[%dma_wait3A_611, %dma_wait3A_612] : memref<100000x128xf32, #tpu.memory_space<hbm>> -> memref<100000x128xf32, #tpu.memory_space<hbm>>
        tpu.wait_indirect_dma semaphore(%arg8 : memref<!tpu.dma_semaphore, #tpu.memory_space<semaphore_mem>>) src(%dma_wait3A_613 : memref<100000x128xf32, #tpu.memory_space<hbm>>) dst(%dma_wait3A_607 : memref<50x128xf32, #tpu.memory_space<vmem>>)
        %dma_wait3A_614 = arith.constant 3 : i32
        %dma_wait3A_615 = arith.constant 0 : i32
        %dma_wait3A_616 = arith.constant 0 : i32
        %dma_wait3A_617 = tpu.memref_slice %arg6[%dma_wait3A_614, %dma_wait3A_615, %dma_wait3A_616] : memref<8x50x128xf32, #tpu.memory_space<vmem>> -> memref<1x50x128xf32, #tpu.memory_space<vmem>>
        %dma_wait3A_618 = tpu.memref_squeeze %dma_wait3A_617 : memref<1x50x128xf32, #tpu.memory_space<vmem>> -> memref<50x128xf32, #tpu.memory_space<vmem>>
        %dma_wait3A_619 = arith.constant 0 : i32
        %dma_wait3A_620 = tpu.memref_slice %arg5[%add3A_509, %dma_wait3A_619] : memref<128x50xi32, #tpu.memory_space<vmem>> -> memref<1x50xi32, #tpu.memory_space<vmem>>
        %dma_wait3A_621 = tpu.memref_squeeze %dma_wait3A_620 : memref<1x50xi32, #tpu.memory_space<vmem>> -> memref<50xi32, #tpu.memory_space<vmem>>
        %dma_wait3A_622 = arith.constant 0 : i32
        %dma_wait3A_623 = arith.constant 0 : i32
        %dma_wait3A_624 = tpu.memref_slice %arg2[%dma_wait3A_622, %dma_wait3A_623] : memref<100000x128xf32, #tpu.memory_space<hbm>> -> memref<100000x128xf32, #tpu.memory_space<hbm>>
        tpu.wait_indirect_dma semaphore(%arg8 : memref<!tpu.dma_semaphore, #tpu.memory_space<semaphore_mem>>) src(%dma_wait3A_624 : memref<100000x128xf32, #tpu.memory_space<hbm>>) dst(%dma_wait3A_618 : memref<50x128xf32, #tpu.memory_space<vmem>>)
        %dma_wait3A_625 = arith.constant 4 : i32
        %dma_wait3A_626 = arith.constant 0 : i32
        %dma_wait3A_627 = arith.constant 0 : i32
        %dma_wait3A_628 = tpu.memref_slice %arg6[%dma_wait3A_625, %dma_wait3A_626, %dma_wait3A_627] : memref<8x50x128xf32, #tpu.memory_space<vmem>> -> memref<1x50x128xf32, #tpu.memory_space<vmem>>
        %dma_wait3A_629 = tpu.memref_squeeze %dma_wait3A_628 : memref<1x50x128xf32, #tpu.memory_space<vmem>> -> memref<50x128xf32, #tpu.memory_space<vmem>>
        %dma_wait3A_630 = arith.constant 0 : i32
        %dma_wait3A_631 = tpu.memref_slice %arg5[%add3A_524, %dma_wait3A_630] : memref<128x50xi32, #tpu.memory_space<vmem>> -> memref<1x50xi32, #tpu.memory_space<vmem>>
        %dma_wait3A_632 = tpu.memref_squeeze %dma_wait3A_631 : memref<1x50xi32, #tpu.memory_space<vmem>> -> memref<50xi32, #tpu.memory_space<vmem>>
        %dma_wait3A_633 = arith.constant 0 : i32
        %dma_wait3A_634 = arith.constant 0 : i32
        %dma_wait3A_635 = tpu.memref_slice %arg2[%dma_wait3A_633, %dma_wait3A_634] : memref<100000x128xf32, #tpu.memory_space<hbm>> -> memref<100000x128xf32, #tpu.memory_space<hbm>>
        tpu.wait_indirect_dma semaphore(%arg8 : memref<!tpu.dma_semaphore, #tpu.memory_space<semaphore_mem>>) src(%dma_wait3A_635 : memref<100000x128xf32, #tpu.memory_space<hbm>>) dst(%dma_wait3A_629 : memref<50x128xf32, #tpu.memory_space<vmem>>)
        %dma_wait3A_636 = arith.constant 5 : i32
        %dma_wait3A_637 = arith.constant 0 : i32
        %dma_wait3A_638 = arith.constant 0 : i32
        %dma_wait3A_639 = tpu.memref_slice %arg6[%dma_wait3A_636, %dma_wait3A_637, %dma_wait3A_638] : memref<8x50x128xf32, #tpu.memory_space<vmem>> -> memref<1x50x128xf32, #tpu.memory_space<vmem>>
        %dma_wait3A_640 = tpu.memref_squeeze %dma_wait3A_639 : memref<1x50x128xf32, #tpu.memory_space<vmem>> -> memref<50x128xf32, #tpu.memory_space<vmem>>
        %dma_wait3A_641 = arith.constant 0 : i32
        %dma_wait3A_642 = tpu.memref_slice %arg5[%add3A_539, %dma_wait3A_641] : memref<128x50xi32, #tpu.memory_space<vmem>> -> memref<1x50xi32, #tpu.memory_space<vmem>>
        %dma_wait3A_643 = tpu.memref_squeeze %dma_wait3A_642 : memref<1x50xi32, #tpu.memory_space<vmem>> -> memref<50xi32, #tpu.memory_space<vmem>>
        %dma_wait3A_644 = arith.constant 0 : i32
        %dma_wait3A_645 = arith.constant 0 : i32
        %dma_wait3A_646 = tpu.memref_slice %arg2[%dma_wait3A_644, %dma_wait3A_645] : memref<100000x128xf32, #tpu.memory_space<hbm>> -> memref<100000x128xf32, #tpu.memory_space<hbm>>
        tpu.wait_indirect_dma semaphore(%arg8 : memref<!tpu.dma_semaphore, #tpu.memory_space<semaphore_mem>>) src(%dma_wait3A_646 : memref<100000x128xf32, #tpu.memory_space<hbm>>) dst(%dma_wait3A_640 : memref<50x128xf32, #tpu.memory_space<vmem>>)
        %dma_wait3A_647 = arith.constant 6 : i32
        %dma_wait3A_648 = arith.constant 0 : i32
        %dma_wait3A_649 = arith.constant 0 : i32
        %dma_wait3A_650 = tpu.memref_slice %arg6[%dma_wait3A_647, %dma_wait3A_648, %dma_wait3A_649] : memref<8x50x128xf32, #tpu.memory_space<vmem>> -> memref<1x50x128xf32, #tpu.memory_space<vmem>>
        %dma_wait3A_651 = tpu.memref_squeeze %dma_wait3A_650 : memref<1x50x128xf32, #tpu.memory_space<vmem>> -> memref<50x128xf32, #tpu.memory_space<vmem>>
        %dma_wait3A_652 = arith.constant 0 : i32
        %dma_wait3A_653 = tpu.memref_slice %arg5[%add3A_554, %dma_wait3A_652] : memref<128x50xi32, #tpu.memory_space<vmem>> -> memref<1x50xi32, #tpu.memory_space<vmem>>
        %dma_wait3A_654 = tpu.memref_squeeze %dma_wait3A_653 : memref<1x50xi32, #tpu.memory_space<vmem>> -> memref<50xi32, #tpu.memory_space<vmem>>
        %dma_wait3A_655 = arith.constant 0 : i32
        %dma_wait3A_656 = arith.constant 0 : i32
        %dma_wait3A_657 = tpu.memref_slice %arg2[%dma_wait3A_655, %dma_wait3A_656] : memref<100000x128xf32, #tpu.memory_space<hbm>> -> memref<100000x128xf32, #tpu.memory_space<hbm>>
        tpu.wait_indirect_dma semaphore(%arg8 : memref<!tpu.dma_semaphore, #tpu.memory_space<semaphore_mem>>) src(%dma_wait3A_657 : memref<100000x128xf32, #tpu.memory_space<hbm>>) dst(%dma_wait3A_651 : memref<50x128xf32, #tpu.memory_space<vmem>>)
        %dma_wait3A_658 = arith.constant 7 : i32
        %dma_wait3A_659 = arith.constant 0 : i32
        %dma_wait3A_660 = arith.constant 0 : i32
        %dma_wait3A_661 = tpu.memref_slice %arg6[%dma_wait3A_658, %dma_wait3A_659, %dma_wait3A_660] : memref<8x50x128xf32, #tpu.memory_space<vmem>> -> memref<1x50x128xf32, #tpu.memory_space<vmem>>
        %dma_wait3A_662 = tpu.memref_squeeze %dma_wait3A_661 : memref<1x50x128xf32, #tpu.memory_space<vmem>> -> memref<50x128xf32, #tpu.memory_space<vmem>>
        %dma_wait3A_663 = arith.constant 0 : i32
        %dma_wait3A_664 = tpu.memref_slice %arg5[%add3A_569, %dma_wait3A_663] : memref<128x50xi32, #tpu.memory_space<vmem>> -> memref<1x50xi32, #tpu.memory_space<vmem>>
        %dma_wait3A_665 = tpu.memref_squeeze %dma_wait3A_664 : memref<1x50xi32, #tpu.memory_space<vmem>> -> memref<50xi32, #tpu.memory_space<vmem>>
        %dma_wait3A_666 = arith.constant 0 : i32
        %dma_wait3A_667 = arith.constant 0 : i32
        %dma_wait3A_668 = tpu.memref_slice %arg2[%dma_wait3A_666, %dma_wait3A_667] : memref<100000x128xf32, #tpu.memory_space<hbm>> -> memref<100000x128xf32, #tpu.memory_space<hbm>>
        tpu.wait_indirect_dma semaphore(%arg8 : memref<!tpu.dma_semaphore, #tpu.memory_space<semaphore_mem>>) src(%dma_wait3A_668 : memref<100000x128xf32, #tpu.memory_space<hbm>>) dst(%dma_wait3A_662 : memref<50x128xf32, #tpu.memory_space<vmem>>)
        %mul3A_669 = arith.constant 8 : i32
        %mul3A_670 = arith.muli %add3A_421, %mul3A_669 : i32
        %add3A_671 = arith.addi %mul3A_2, %mul3A_670 : i32
        %dma_start3A_672 = arith.constant 0 : i32
        %dma_start3A_673 = arith.constant 0 : i32
        %dma_start3A_674 = tpu.memref_slice %arg4[%add3A_671, %dma_start3A_672, %dma_start3A_673] : memref<4096x50x128xf32, #tpu.memory_space<hbm>> -> memref<8x50x128xf32, #tpu.memory_space<hbm>>
        %dma_start3A_675 = arith.constant 0 : i32
        %dma_start3A_676 = arith.constant 0 : i32
        %dma_start3A_677 = tpu.memref_slice %arg4[%add3A_671, %dma_start3A_675, %dma_start3A_676] : memref<4096x50x128xf32, #tpu.memory_space<hbm>> -> memref<8x50x128xf32, #tpu.memory_space<hbm>>
        tpu.enqueue_dma source(%arg6 : memref<8x50x128xf32, #tpu.memory_space<vmem>>) target(%dma_start3A_677 : memref<8x50x128xf32, #tpu.memory_space<hbm>>) target_semaphore(%arg9 : memref<!tpu.dma_semaphore, #tpu.memory_space<semaphore_mem>>)
      } else {
      }
      %jit3A_434 = arith.constant 2 : i32
      %eq3A_435 = arith.constant 0 : i32
      %eq3A_436 = arith.cmpi eq, %jit3A_434, %eq3A_435 : i32
      %jit3A_437 = arith.constant 1 : i32
      %select_n3A_438 = arith.select %eq3A_436, %jit3A_437, %jit3A_434 : i32
      %rem3A_439 = arith.remsi %add3A_421, %select_n3A_438 : i32
      %ne3A_440 = arith.constant 0 : i32
      %ne3A_441 = arith.cmpi ne, %rem3A_439, %ne3A_440 : i32
      %lt3A_442 = arith.constant 0 : i32
      %lt3A_443 = arith.cmpi slt, %rem3A_439, %lt3A_442 : i32
      %lt3A_444 = arith.constant 0 : i32
      %lt3A_445 = arith.cmpi slt, %select_n3A_438, %lt3A_444 : i32
      %ne3A_446 = arith.xori %lt3A_443, %lt3A_445 : i1
      %and3A_447 = arith.andi %ne3A_446, %ne3A_441 : i1
      %add3A_448 = arith.addi %rem3A_439, %select_n3A_438 : i32
      %select_n3A_449 = arith.select %and3A_447, %add3A_448, %rem3A_439 : i32
      %eq3A_450 = arith.constant 1 : i32
      %eq3A_451 = arith.cmpi eq, %select_n3A_449, %eq3A_450 : i32
      %convert_element_type3A_452 = arith.extui %eq3A_451 : i1 to i32
      %cond3A_453 = arith.constant 0 : i32
      %cond3A_454 = arith.cmpi ne, %convert_element_type3A_452, %cond3A_453 : i32
      scf.if %cond3A_454 {
        %dma_wait3A_455 = arith.constant 0 : i32
        %dma_wait3A_456 = arith.constant 0 : i32
        %dma_wait3A_457 = tpu.memref_slice %arg4[%mul3A_2, %dma_wait3A_455, %dma_wait3A_456] : memref<4096x50x128xf32, #tpu.memory_space<hbm>> -> memref<8x50x128xf32, #tpu.memory_space<hbm>>
        %dma_wait3A_458 = arith.constant 0 : i32
        %dma_wait3A_459 = arith.constant 0 : i32
        %dma_wait3A_460 = tpu.memref_slice %arg4[%mul3A_2, %dma_wait3A_458, %dma_wait3A_459] : memref<4096x50x128xf32, #tpu.memory_space<hbm>> -> memref<8x50x128xf32, #tpu.memory_space<hbm>>
        tpu.wait_dma2 semaphore(%arg10 : memref<!tpu.dma_semaphore, #tpu.memory_space<semaphore_mem>>) src(%arg7 : memref<8x50x128xf32, #tpu.memory_space<vmem>>) dst(%dma_wait3A_460 : memref<8x50x128xf32, #tpu.memory_space<hbm>>)
        %mul3A_461 = arith.constant 8 : i32
        %mul3A_462 = arith.muli %add3A_421, %mul3A_461 : i32
        %add3A_463 = arith.constant 0 : i32
        %add3A_464 = arith.addi %mul3A_462, %add3A_463 : i32
        %dma_start3A_465 = arith.constant 0 : i32
        %dma_start3A_466 = arith.constant 0 : i32
        %dma_start3A_467 = arith.constant 0 : i32
        %dma_start3A_468 = tpu.memref_slice %arg7[%dma_start3A_465, %dma_start3A_466, %dma_start3A_467] : memref<8x50x128xf32, #tpu.memory_space<vmem>> -> memref<1x50x128xf32, #tpu.memory_space<vmem>>
        %dma_start3A_469 = tpu.memref_squeeze %dma_start3A_468 : memref<1x50x128xf32, #tpu.memory_space<vmem>> -> memref<50x128xf32, #tpu.memory_space<vmem>>
        %dma_start3A_470 = arith.constant 0 : i32
        %dma_start3A_471 = tpu.memref_slice %arg5[%add3A_464, %dma_start3A_470] : memref<128x50xi32, #tpu.memory_space<vmem>> -> memref<1x50xi32, #tpu.memory_space<vmem>>
        %dma_start3A_472 = tpu.memref_squeeze %dma_start3A_471 : memref<1x50xi32, #tpu.memory_space<vmem>> -> memref<50xi32, #tpu.memory_space<vmem>>
        %dma_start3A_473 = arith.constant 0 : i32
        %dma_start3A_474 = arith.constant 0 : i32
        %dma_start3A_475 = tpu.memref_slice %arg2[%dma_start3A_473, %dma_start3A_474] : memref<100000x128xf32, #tpu.memory_space<hbm>> -> memref<100000x128xf32, #tpu.memory_space<hbm>>
        tpu.enqueue_indirect_dma source(%dma_start3A_475 : memref<100000x128xf32, #tpu.memory_space<hbm>>) target(%dma_start3A_469 : memref<50x128xf32, #tpu.memory_space<vmem>>) offsets(%dma_start3A_472 : memref<50xi32, #tpu.memory_space<vmem>>) semaphore(%arg8 : memref<!tpu.dma_semaphore, #tpu.memory_space<semaphore_mem>>)
        %mul3A_476 = arith.constant 8 : i32
        %mul3A_477 = arith.muli %add3A_421, %mul3A_476 : i32
        %add3A_478 = arith.constant 1 : i32
        %add3A_479 = arith.addi %mul3A_477, %add3A_478 : i32
        %dma_start3A_480 = arith.constant 1 : i32
        %dma_start3A_481 = arith.constant 0 : i32
        %dma_start3A_482 = arith.constant 0 : i32
        %dma_start3A_483 = tpu.memref_slice %arg7[%dma_start3A_480, %dma_start3A_481, %dma_start3A_482] : memref<8x50x128xf32, #tpu.memory_space<vmem>> -> memref<1x50x128xf32, #tpu.memory_space<vmem>>
        %dma_start3A_484 = tpu.memref_squeeze %dma_start3A_483 : memref<1x50x128xf32, #tpu.memory_space<vmem>> -> memref<50x128xf32, #tpu.memory_space<vmem>>
        %dma_start3A_485 = arith.constant 0 : i32
        %dma_start3A_486 = tpu.memref_slice %arg5[%add3A_479, %dma_start3A_485] : memref<128x50xi32, #tpu.memory_space<vmem>> -> memref<1x50xi32, #tpu.memory_space<vmem>>
        %dma_start3A_487 = tpu.memref_squeeze %dma_start3A_486 : memref<1x50xi32, #tpu.memory_space<vmem>> -> memref<50xi32, #tpu.memory_space<vmem>>
        %dma_start3A_488 = arith.constant 0 : i32
        %dma_start3A_489 = arith.constant 0 : i32
        %dma_start3A_490 = tpu.memref_slice %arg2[%dma_start3A_488, %dma_start3A_489] : memref<100000x128xf32, #tpu.memory_space<hbm>> -> memref<100000x128xf32, #tpu.memory_space<hbm>>
        tpu.enqueue_indirect_dma source(%dma_start3A_490 : memref<100000x128xf32, #tpu.memory_space<hbm>>) target(%dma_start3A_484 : memref<50x128xf32, #tpu.memory_space<vmem>>) offsets(%dma_start3A_487 : memref<50xi32, #tpu.memory_space<vmem>>) semaphore(%arg8 : memref<!tpu.dma_semaphore, #tpu.memory_space<semaphore_mem>>)
        %mul3A_491 = arith.constant 8 : i32
        %mul3A_492 = arith.muli %add3A_421, %mul3A_491 : i32
        %add3A_493 = arith.constant 2 : i32
        %add3A_494 = arith.addi %mul3A_492, %add3A_493 : i32
        %dma_start3A_495 = arith.constant 2 : i32
        %dma_start3A_496 = arith.constant 0 : i32
        %dma_start3A_497 = arith.constant 0 : i32
        %dma_start3A_498 = tpu.memref_slice %arg7[%dma_start3A_495, %dma_start3A_496, %dma_start3A_497] : memref<8x50x128xf32, #tpu.memory_space<vmem>> -> memref<1x50x128xf32, #tpu.memory_space<vmem>>
        %dma_start3A_499 = tpu.memref_squeeze %dma_start3A_498 : memref<1x50x128xf32, #tpu.memory_space<vmem>> -> memref<50x128xf32, #tpu.memory_space<vmem>>
        %dma_start3A_500 = arith.constant 0 : i32
        %dma_start3A_501 = tpu.memref_slice %arg5[%add3A_494, %dma_start3A_500] : memref<128x50xi32, #tpu.memory_space<vmem>> -> memref<1x50xi32, #tpu.memory_space<vmem>>
        %dma_start3A_502 = tpu.memref_squeeze %dma_start3A_501 : memref<1x50xi32, #tpu.memory_space<vmem>> -> memref<50xi32, #tpu.memory_space<vmem>>
        %dma_start3A_503 = arith.constant 0 : i32
        %dma_start3A_504 = arith.constant 0 : i32
        %dma_start3A_505 = tpu.memref_slice %arg2[%dma_start3A_503, %dma_start3A_504] : memref<100000x128xf32, #tpu.memory_space<hbm>> -> memref<100000x128xf32, #tpu.memory_space<hbm>>
        tpu.enqueue_indirect_dma source(%dma_start3A_505 : memref<100000x128xf32, #tpu.memory_space<hbm>>) target(%dma_start3A_499 : memref<50x128xf32, #tpu.memory_space<vmem>>) offsets(%dma_start3A_502 : memref<50xi32, #tpu.memory_space<vmem>>) semaphore(%arg8 : memref<!tpu.dma_semaphore, #tpu.memory_space<semaphore_mem>>)
        %mul3A_506 = arith.constant 8 : i32
        %mul3A_507 = arith.muli %add3A_421, %mul3A_506 : i32
        %add3A_508 = arith.constant 3 : i32
        %add3A_509 = arith.addi %mul3A_507, %add3A_508 : i32
        %dma_start3A_510 = arith.constant 3 : i32
        %dma_start3A_511 = arith.constant 0 : i32
        %dma_start3A_512 = arith.constant 0 : i32
        %dma_start3A_513 = tpu.memref_slice %arg7[%dma_start3A_510, %dma_start3A_511, %dma_start3A_512] : memref<8x50x128xf32, #tpu.memory_space<vmem>> -> memref<1x50x128xf32, #tpu.memory_space<vmem>>
        %dma_start3A_514 = tpu.memref_squeeze %dma_start3A_513 : memref<1x50x128xf32, #tpu.memory_space<vmem>> -> memref<50x128xf32, #tpu.memory_space<vmem>>
        %dma_start3A_515 = arith.constant 0 : i32
        %dma_start3A_516 = tpu.memref_slice %arg5[%add3A_509, %dma_start3A_515] : memref<128x50xi32, #tpu.memory_space<vmem>> -> memref<1x50xi32, #tpu.memory_space<vmem>>
        %dma_start3A_517 = tpu.memref_squeeze %dma_start3A_516 : memref<1x50xi32, #tpu.memory_space<vmem>> -> memref<50xi32, #tpu.memory_space<vmem>>
        %dma_start3A_518 = arith.constant 0 : i32
        %dma_start3A_519 = arith.constant 0 : i32
        %dma_start3A_520 = tpu.memref_slice %arg2[%dma_start3A_518, %dma_start3A_519] : memref<100000x128xf32, #tpu.memory_space<hbm>> -> memref<100000x128xf32, #tpu.memory_space<hbm>>
        tpu.enqueue_indirect_dma source(%dma_start3A_520 : memref<100000x128xf32, #tpu.memory_space<hbm>>) target(%dma_start3A_514 : memref<50x128xf32, #tpu.memory_space<vmem>>) offsets(%dma_start3A_517 : memref<50xi32, #tpu.memory_space<vmem>>) semaphore(%arg8 : memref<!tpu.dma_semaphore, #tpu.memory_space<semaphore_mem>>)
        %mul3A_521 = arith.constant 8 : i32
        %mul3A_522 = arith.muli %add3A_421, %mul3A_521 : i32
        %add3A_523 = arith.constant 4 : i32
        %add3A_524 = arith.addi %mul3A_522, %add3A_523 : i32
        %dma_start3A_525 = arith.constant 4 : i32
        %dma_start3A_526 = arith.constant 0 : i32
        %dma_start3A_527 = arith.constant 0 : i32
        %dma_start3A_528 = tpu.memref_slice %arg7[%dma_start3A_525, %dma_start3A_526, %dma_start3A_527] : memref<8x50x128xf32, #tpu.memory_space<vmem>> -> memref<1x50x128xf32, #tpu.memory_space<vmem>>
        %dma_start3A_529 = tpu.memref_squeeze %dma_start3A_528 : memref<1x50x128xf32, #tpu.memory_space<vmem>> -> memref<50x128xf32, #tpu.memory_space<vmem>>
        %dma_start3A_530 = arith.constant 0 : i32
        %dma_start3A_531 = tpu.memref_slice %arg5[%add3A_524, %dma_start3A_530] : memref<128x50xi32, #tpu.memory_space<vmem>> -> memref<1x50xi32, #tpu.memory_space<vmem>>
        %dma_start3A_532 = tpu.memref_squeeze %dma_start3A_531 : memref<1x50xi32, #tpu.memory_space<vmem>> -> memref<50xi32, #tpu.memory_space<vmem>>
        %dma_start3A_533 = arith.constant 0 : i32
        %dma_start3A_534 = arith.constant 0 : i32
        %dma_start3A_535 = tpu.memref_slice %arg2[%dma_start3A_533, %dma_start3A_534] : memref<100000x128xf32, #tpu.memory_space<hbm>> -> memref<100000x128xf32, #tpu.memory_space<hbm>>
        tpu.enqueue_indirect_dma source(%dma_start3A_535 : memref<100000x128xf32, #tpu.memory_space<hbm>>) target(%dma_start3A_529 : memref<50x128xf32, #tpu.memory_space<vmem>>) offsets(%dma_start3A_532 : memref<50xi32, #tpu.memory_space<vmem>>) semaphore(%arg8 : memref<!tpu.dma_semaphore, #tpu.memory_space<semaphore_mem>>)
        %mul3A_536 = arith.constant 8 : i32
        %mul3A_537 = arith.muli %add3A_421, %mul3A_536 : i32
        %add3A_538 = arith.constant 5 : i32
        %add3A_539 = arith.addi %mul3A_537, %add3A_538 : i32
        %dma_start3A_540 = arith.constant 5 : i32
        %dma_start3A_541 = arith.constant 0 : i32
        %dma_start3A_542 = arith.constant 0 : i32
        %dma_start3A_543 = tpu.memref_slice %arg7[%dma_start3A_540, %dma_start3A_541, %dma_start3A_542] : memref<8x50x128xf32, #tpu.memory_space<vmem>> -> memref<1x50x128xf32, #tpu.memory_space<vmem>>
        %dma_start3A_544 = tpu.memref_squeeze %dma_start3A_543 : memref<1x50x128xf32, #tpu.memory_space<vmem>> -> memref<50x128xf32, #tpu.memory_space<vmem>>
        %dma_start3A_545 = arith.constant 0 : i32
        %dma_start3A_546 = tpu.memref_slice %arg5[%add3A_539, %dma_start3A_545] : memref<128x50xi32, #tpu.memory_space<vmem>> -> memref<1x50xi32, #tpu.memory_space<vmem>>
        %dma_start3A_547 = tpu.memref_squeeze %dma_start3A_546 : memref<1x50xi32, #tpu.memory_space<vmem>> -> memref<50xi32, #tpu.memory_space<vmem>>
        %dma_start3A_548 = arith.constant 0 : i32
        %dma_start3A_549 = arith.constant 0 : i32
        %dma_start3A_550 = tpu.memref_slice %arg2[%dma_start3A_548, %dma_start3A_549] : memref<100000x128xf32, #tpu.memory_space<hbm>> -> memref<100000x128xf32, #tpu.memory_space<hbm>>
        tpu.enqueue_indirect_dma source(%dma_start3A_550 : memref<100000x128xf32, #tpu.memory_space<hbm>>) target(%dma_start3A_544 : memref<50x128xf32, #tpu.memory_space<vmem>>) offsets(%dma_start3A_547 : memref<50xi32, #tpu.memory_space<vmem>>) semaphore(%arg8 : memref<!tpu.dma_semaphore, #tpu.memory_space<semaphore_mem>>)
        %mul3A_551 = arith.constant 8 : i32
        %mul3A_552 = arith.muli %add3A_421, %mul3A_551 : i32
        %add3A_553 = arith.constant 6 : i32
        %add3A_554 = arith.addi %mul3A_552, %add3A_553 : i32
        %dma_start3A_555 = arith.constant 6 : i32
        %dma_start3A_556 = arith.constant 0 : i32
        %dma_start3A_557 = arith.constant 0 : i32
        %dma_start3A_558 = tpu.memref_slice %arg7[%dma_start3A_555, %dma_start3A_556, %dma_start3A_557] : memref<8x50x128xf32, #tpu.memory_space<vmem>> -> memref<1x50x128xf32, #tpu.memory_space<vmem>>
        %dma_start3A_559 = tpu.memref_squeeze %dma_start3A_558 : memref<1x50x128xf32, #tpu.memory_space<vmem>> -> memref<50x128xf32, #tpu.memory_space<vmem>>
        %dma_start3A_560 = arith.constant 0 : i32
        %dma_start3A_561 = tpu.memref_slice %arg5[%add3A_554, %dma_start3A_560] : memref<128x50xi32, #tpu.memory_space<vmem>> -> memref<1x50xi32, #tpu.memory_space<vmem>>
        %dma_start3A_562 = tpu.memref_squeeze %dma_start3A_561 : memref<1x50xi32, #tpu.memory_space<vmem>> -> memref<50xi32, #tpu.memory_space<vmem>>
        %dma_start3A_563 = arith.constant 0 : i32
        %dma_start3A_564 = arith.constant 0 : i32
        %dma_start3A_565 = tpu.memref_slice %arg2[%dma_start3A_563, %dma_start3A_564] : memref<100000x128xf32, #tpu.memory_space<hbm>> -> memref<100000x128xf32, #tpu.memory_space<hbm>>
        tpu.enqueue_indirect_dma source(%dma_start3A_565 : memref<100000x128xf32, #tpu.memory_space<hbm>>) target(%dma_start3A_559 : memref<50x128xf32, #tpu.memory_space<vmem>>) offsets(%dma_start3A_562 : memref<50xi32, #tpu.memory_space<vmem>>) semaphore(%arg8 : memref<!tpu.dma_semaphore, #tpu.memory_space<semaphore_mem>>)
        %mul3A_566 = arith.constant 8 : i32
        %mul3A_567 = arith.muli %add3A_421, %mul3A_566 : i32
        %add3A_568 = arith.constant 7 : i32
        %add3A_569 = arith.addi %mul3A_567, %add3A_568 : i32
        %dma_start3A_570 = arith.constant 7 : i32
        %dma_start3A_571 = arith.constant 0 : i32
        %dma_start3A_572 = arith.constant 0 : i32
        %dma_start3A_573 = tpu.memref_slice %arg7[%dma_start3A_570, %dma_start3A_571, %dma_start3A_572] : memref<8x50x128xf32, #tpu.memory_space<vmem>> -> memref<1x50x128xf32, #tpu.memory_space<vmem>>
        %dma_start3A_574 = tpu.memref_squeeze %dma_start3A_573 : memref<1x50x128xf32, #tpu.memory_space<vmem>> -> memref<50x128xf32, #tpu.memory_space<vmem>>
        %dma_start3A_575 = arith.constant 0 : i32
        %dma_start3A_576 = tpu.memref_slice %arg5[%add3A_569, %dma_start3A_575] : memref<128x50xi32, #tpu.memory_space<vmem>> -> memref<1x50xi32, #tpu.memory_space<vmem>>
        %dma_start3A_577 = tpu.memref_squeeze %dma_start3A_576 : memref<1x50xi32, #tpu.memory_space<vmem>> -> memref<50xi32, #tpu.memory_space<vmem>>
        %dma_start3A_578 = arith.constant 0 : i32
        %dma_start3A_579 = arith.constant 0 : i32
        %dma_start3A_580 = tpu.memref_slice %arg2[%dma_start3A_578, %dma_start3A_579] : memref<100000x128xf32, #tpu.memory_space<hbm>> -> memref<100000x128xf32, #tpu.memory_space<hbm>>
        tpu.enqueue_indirect_dma source(%dma_start3A_580 : memref<100000x128xf32, #tpu.memory_space<hbm>>) target(%dma_start3A_574 : memref<50x128xf32, #tpu.memory_space<vmem>>) offsets(%dma_start3A_577 : memref<50xi32, #tpu.memory_space<vmem>>) semaphore(%arg8 : memref<!tpu.dma_semaphore, #tpu.memory_space<semaphore_mem>>)
        %dma_wait3A_581 = arith.constant 0 : i32
        %dma_wait3A_582 = arith.constant 0 : i32
        %dma_wait3A_583 = arith.constant 0 : i32
        %dma_wait3A_584 = tpu.memref_slice %arg7[%dma_wait3A_581, %dma_wait3A_582, %dma_wait3A_583] : memref<8x50x128xf32, #tpu.memory_space<vmem>> -> memref<1x50x128xf32, #tpu.memory_space<vmem>>
        %dma_wait3A_585 = tpu.memref_squeeze %dma_wait3A_584 : memref<1x50x128xf32, #tpu.memory_space<vmem>> -> memref<50x128xf32, #tpu.memory_space<vmem>>
        %dma_wait3A_586 = arith.constant 0 : i32
        %dma_wait3A_587 = tpu.memref_slice %arg5[%add3A_464, %dma_wait3A_586] : memref<128x50xi32, #tpu.memory_space<vmem>> -> memref<1x50xi32, #tpu.memory_space<vmem>>
        %dma_wait3A_588 = tpu.memref_squeeze %dma_wait3A_587 : memref<1x50xi32, #tpu.memory_space<vmem>> -> memref<50xi32, #tpu.memory_space<vmem>>
        %dma_wait3A_589 = arith.constant 0 : i32
        %dma_wait3A_590 = arith.constant 0 : i32
        %dma_wait3A_591 = tpu.memref_slice %arg2[%dma_wait3A_589, %dma_wait3A_590] : memref<100000x128xf32, #tpu.memory_space<hbm>> -> memref<100000x128xf32, #tpu.memory_space<hbm>>
        tpu.wait_indirect_dma semaphore(%arg8 : memref<!tpu.dma_semaphore, #tpu.memory_space<semaphore_mem>>) src(%dma_wait3A_591 : memref<100000x128xf32, #tpu.memory_space<hbm>>) dst(%dma_wait3A_585 : memref<50x128xf32, #tpu.memory_space<vmem>>)
        %dma_wait3A_592 = arith.constant 1 : i32
        %dma_wait3A_593 = arith.constant 0 : i32
        %dma_wait3A_594 = arith.constant 0 : i32
        %dma_wait3A_595 = tpu.memref_slice %arg7[%dma_wait3A_592, %dma_wait3A_593, %dma_wait3A_594] : memref<8x50x128xf32, #tpu.memory_space<vmem>> -> memref<1x50x128xf32, #tpu.memory_space<vmem>>
        %dma_wait3A_596 = tpu.memref_squeeze %dma_wait3A_595 : memref<1x50x128xf32, #tpu.memory_space<vmem>> -> memref<50x128xf32, #tpu.memory_space<vmem>>
        %dma_wait3A_597 = arith.constant 0 : i32
        %dma_wait3A_598 = tpu.memref_slice %arg5[%add3A_479, %dma_wait3A_597] : memref<128x50xi32, #tpu.memory_space<vmem>> -> memref<1x50xi32, #tpu.memory_space<vmem>>
        %dma_wait3A_599 = tpu.memref_squeeze %dma_wait3A_598 : memref<1x50xi32, #tpu.memory_space<vmem>> -> memref<50xi32, #tpu.memory_space<vmem>>
        %dma_wait3A_600 = arith.constant 0 : i32
        %dma_wait3A_601 = arith.constant 0 : i32
        %dma_wait3A_602 = tpu.memref_slice %arg2[%dma_wait3A_600, %dma_wait3A_601] : memref<100000x128xf32, #tpu.memory_space<hbm>> -> memref<100000x128xf32, #tpu.memory_space<hbm>>
        tpu.wait_indirect_dma semaphore(%arg8 : memref<!tpu.dma_semaphore, #tpu.memory_space<semaphore_mem>>) src(%dma_wait3A_602 : memref<100000x128xf32, #tpu.memory_space<hbm>>) dst(%dma_wait3A_596 : memref<50x128xf32, #tpu.memory_space<vmem>>)
        %dma_wait3A_603 = arith.constant 2 : i32
        %dma_wait3A_604 = arith.constant 0 : i32
        %dma_wait3A_605 = arith.constant 0 : i32
        %dma_wait3A_606 = tpu.memref_slice %arg7[%dma_wait3A_603, %dma_wait3A_604, %dma_wait3A_605] : memref<8x50x128xf32, #tpu.memory_space<vmem>> -> memref<1x50x128xf32, #tpu.memory_space<vmem>>
        %dma_wait3A_607 = tpu.memref_squeeze %dma_wait3A_606 : memref<1x50x128xf32, #tpu.memory_space<vmem>> -> memref<50x128xf32, #tpu.memory_space<vmem>>
        %dma_wait3A_608 = arith.constant 0 : i32
        %dma_wait3A_609 = tpu.memref_slice %arg5[%add3A_494, %dma_wait3A_608] : memref<128x50xi32, #tpu.memory_space<vmem>> -> memref<1x50xi32, #tpu.memory_space<vmem>>
        %dma_wait3A_610 = tpu.memref_squeeze %dma_wait3A_609 : memref<1x50xi32, #tpu.memory_space<vmem>> -> memref<50xi32, #tpu.memory_space<vmem>>
        %dma_wait3A_611 = arith.constant 0 : i32
        %dma_wait3A_612 = arith.constant 0 : i32
        %dma_wait3A_613 = tpu.memref_slice %arg2[%dma_wait3A_611, %dma_wait3A_612] : memref<100000x128xf32, #tpu.memory_space<hbm>> -> memref<100000x128xf32, #tpu.memory_space<hbm>>
        tpu.wait_indirect_dma semaphore(%arg8 : memref<!tpu.dma_semaphore, #tpu.memory_space<semaphore_mem>>) src(%dma_wait3A_613 : memref<100000x128xf32, #tpu.memory_space<hbm>>) dst(%dma_wait3A_607 : memref<50x128xf32, #tpu.memory_space<vmem>>)
        %dma_wait3A_614 = arith.constant 3 : i32
        %dma_wait3A_615 = arith.constant 0 : i32
        %dma_wait3A_616 = arith.constant 0 : i32
        %dma_wait3A_617 = tpu.memref_slice %arg7[%dma_wait3A_614, %dma_wait3A_615, %dma_wait3A_616] : memref<8x50x128xf32, #tpu.memory_space<vmem>> -> memref<1x50x128xf32, #tpu.memory_space<vmem>>
        %dma_wait3A_618 = tpu.memref_squeeze %dma_wait3A_617 : memref<1x50x128xf32, #tpu.memory_space<vmem>> -> memref<50x128xf32, #tpu.memory_space<vmem>>
        %dma_wait3A_619 = arith.constant 0 : i32
        %dma_wait3A_620 = tpu.memref_slice %arg5[%add3A_509, %dma_wait3A_619] : memref<128x50xi32, #tpu.memory_space<vmem>> -> memref<1x50xi32, #tpu.memory_space<vmem>>
        %dma_wait3A_621 = tpu.memref_squeeze %dma_wait3A_620 : memref<1x50xi32, #tpu.memory_space<vmem>> -> memref<50xi32, #tpu.memory_space<vmem>>
        %dma_wait3A_622 = arith.constant 0 : i32
        %dma_wait3A_623 = arith.constant 0 : i32
        %dma_wait3A_624 = tpu.memref_slice %arg2[%dma_wait3A_622, %dma_wait3A_623] : memref<100000x128xf32, #tpu.memory_space<hbm>> -> memref<100000x128xf32, #tpu.memory_space<hbm>>
        tpu.wait_indirect_dma semaphore(%arg8 : memref<!tpu.dma_semaphore, #tpu.memory_space<semaphore_mem>>) src(%dma_wait3A_624 : memref<100000x128xf32, #tpu.memory_space<hbm>>) dst(%dma_wait3A_618 : memref<50x128xf32, #tpu.memory_space<vmem>>)
        %dma_wait3A_625 = arith.constant 4 : i32
        %dma_wait3A_626 = arith.constant 0 : i32
        %dma_wait3A_627 = arith.constant 0 : i32
        %dma_wait3A_628 = tpu.memref_slice %arg7[%dma_wait3A_625, %dma_wait3A_626, %dma_wait3A_627] : memref<8x50x128xf32, #tpu.memory_space<vmem>> -> memref<1x50x128xf32, #tpu.memory_space<vmem>>
        %dma_wait3A_629 = tpu.memref_squeeze %dma_wait3A_628 : memref<1x50x128xf32, #tpu.memory_space<vmem>> -> memref<50x128xf32, #tpu.memory_space<vmem>>
        %dma_wait3A_630 = arith.constant 0 : i32
        %dma_wait3A_631 = tpu.memref_slice %arg5[%add3A_524, %dma_wait3A_630] : memref<128x50xi32, #tpu.memory_space<vmem>> -> memref<1x50xi32, #tpu.memory_space<vmem>>
        %dma_wait3A_632 = tpu.memref_squeeze %dma_wait3A_631 : memref<1x50xi32, #tpu.memory_space<vmem>> -> memref<50xi32, #tpu.memory_space<vmem>>
        %dma_wait3A_633 = arith.constant 0 : i32
        %dma_wait3A_634 = arith.constant 0 : i32
        %dma_wait3A_635 = tpu.memref_slice %arg2[%dma_wait3A_633, %dma_wait3A_634] : memref<100000x128xf32, #tpu.memory_space<hbm>> -> memref<100000x128xf32, #tpu.memory_space<hbm>>
        tpu.wait_indirect_dma semaphore(%arg8 : memref<!tpu.dma_semaphore, #tpu.memory_space<semaphore_mem>>) src(%dma_wait3A_635 : memref<100000x128xf32, #tpu.memory_space<hbm>>) dst(%dma_wait3A_629 : memref<50x128xf32, #tpu.memory_space<vmem>>)
        %dma_wait3A_636 = arith.constant 5 : i32
        %dma_wait3A_637 = arith.constant 0 : i32
        %dma_wait3A_638 = arith.constant 0 : i32
        %dma_wait3A_639 = tpu.memref_slice %arg7[%dma_wait3A_636, %dma_wait3A_637, %dma_wait3A_638] : memref<8x50x128xf32, #tpu.memory_space<vmem>> -> memref<1x50x128xf32, #tpu.memory_space<vmem>>
        %dma_wait3A_640 = tpu.memref_squeeze %dma_wait3A_639 : memref<1x50x128xf32, #tpu.memory_space<vmem>> -> memref<50x128xf32, #tpu.memory_space<vmem>>
        %dma_wait3A_641 = arith.constant 0 : i32
        %dma_wait3A_642 = tpu.memref_slice %arg5[%add3A_539, %dma_wait3A_641] : memref<128x50xi32, #tpu.memory_space<vmem>> -> memref<1x50xi32, #tpu.memory_space<vmem>>
        %dma_wait3A_643 = tpu.memref_squeeze %dma_wait3A_642 : memref<1x50xi32, #tpu.memory_space<vmem>> -> memref<50xi32, #tpu.memory_space<vmem>>
        %dma_wait3A_644 = arith.constant 0 : i32
        %dma_wait3A_645 = arith.constant 0 : i32
        %dma_wait3A_646 = tpu.memref_slice %arg2[%dma_wait3A_644, %dma_wait3A_645] : memref<100000x128xf32, #tpu.memory_space<hbm>> -> memref<100000x128xf32, #tpu.memory_space<hbm>>
        tpu.wait_indirect_dma semaphore(%arg8 : memref<!tpu.dma_semaphore, #tpu.memory_space<semaphore_mem>>) src(%dma_wait3A_646 : memref<100000x128xf32, #tpu.memory_space<hbm>>) dst(%dma_wait3A_640 : memref<50x128xf32, #tpu.memory_space<vmem>>)
        %dma_wait3A_647 = arith.constant 6 : i32
        %dma_wait3A_648 = arith.constant 0 : i32
        %dma_wait3A_649 = arith.constant 0 : i32
        %dma_wait3A_650 = tpu.memref_slice %arg7[%dma_wait3A_647, %dma_wait3A_648, %dma_wait3A_649] : memref<8x50x128xf32, #tpu.memory_space<vmem>> -> memref<1x50x128xf32, #tpu.memory_space<vmem>>
        %dma_wait3A_651 = tpu.memref_squeeze %dma_wait3A_650 : memref<1x50x128xf32, #tpu.memory_space<vmem>> -> memref<50x128xf32, #tpu.memory_space<vmem>>
        %dma_wait3A_652 = arith.constant 0 : i32
        %dma_wait3A_653 = tpu.memref_slice %arg5[%add3A_554, %dma_wait3A_652] : memref<128x50xi32, #tpu.memory_space<vmem>> -> memref<1x50xi32, #tpu.memory_space<vmem>>
        %dma_wait3A_654 = tpu.memref_squeeze %dma_wait3A_653 : memref<1x50xi32, #tpu.memory_space<vmem>> -> memref<50xi32, #tpu.memory_space<vmem>>
        %dma_wait3A_655 = arith.constant 0 : i32
        %dma_wait3A_656 = arith.constant 0 : i32
        %dma_wait3A_657 = tpu.memref_slice %arg2[%dma_wait3A_655, %dma_wait3A_656] : memref<100000x128xf32, #tpu.memory_space<hbm>> -> memref<100000x128xf32, #tpu.memory_space<hbm>>
        tpu.wait_indirect_dma semaphore(%arg8 : memref<!tpu.dma_semaphore, #tpu.memory_space<semaphore_mem>>) src(%dma_wait3A_657 : memref<100000x128xf32, #tpu.memory_space<hbm>>) dst(%dma_wait3A_651 : memref<50x128xf32, #tpu.memory_space<vmem>>)
        %dma_wait3A_658 = arith.constant 7 : i32
        %dma_wait3A_659 = arith.constant 0 : i32
        %dma_wait3A_660 = arith.constant 0 : i32
        %dma_wait3A_661 = tpu.memref_slice %arg7[%dma_wait3A_658, %dma_wait3A_659, %dma_wait3A_660] : memref<8x50x128xf32, #tpu.memory_space<vmem>> -> memref<1x50x128xf32, #tpu.memory_space<vmem>>
        %dma_wait3A_662 = tpu.memref_squeeze %dma_wait3A_661 : memref<1x50x128xf32, #tpu.memory_space<vmem>> -> memref<50x128xf32, #tpu.memory_space<vmem>>
        %dma_wait3A_663 = arith.constant 0 : i32
        %dma_wait3A_664 = tpu.memref_slice %arg5[%add3A_569, %dma_wait3A_663] : memref<128x50xi32, #tpu.memory_space<vmem>> -> memref<1x50xi32, #tpu.memory_space<vmem>>
        %dma_wait3A_665 = tpu.memref_squeeze %dma_wait3A_664 : memref<1x50xi32, #tpu.memory_space<vmem>> -> memref<50xi32, #tpu.memory_space<vmem>>
        %dma_wait3A_666 = arith.constant 0 : i32
        %dma_wait3A_667 = arith.constant 0 : i32
        %dma_wait3A_668 = tpu.memref_slice %arg2[%dma_wait3A_666, %dma_wait3A_667] : memref<100000x128xf32, #tpu.memory_space<hbm>> -> memref<100000x128xf32, #tpu.memory_space<hbm>>
        tpu.wait_indirect_dma semaphore(%arg8 : memref<!tpu.dma_semaphore, #tpu.memory_space<semaphore_mem>>) src(%dma_wait3A_668 : memref<100000x128xf32, #tpu.memory_space<hbm>>) dst(%dma_wait3A_662 : memref<50x128xf32, #tpu.memory_space<vmem>>)
        %mul3A_669 = arith.constant 8 : i32
        %mul3A_670 = arith.muli %add3A_421, %mul3A_669 : i32
        %add3A_671 = arith.addi %mul3A_2, %mul3A_670 : i32
        %dma_start3A_672 = arith.constant 0 : i32
        %dma_start3A_673 = arith.constant 0 : i32
        %dma_start3A_674 = tpu.memref_slice %arg4[%add3A_671, %dma_start3A_672, %dma_start3A_673] : memref<4096x50x128xf32, #tpu.memory_space<hbm>> -> memref<8x50x128xf32, #tpu.memory_space<hbm>>
        %dma_start3A_675 = arith.constant 0 : i32
        %dma_start3A_676 = arith.constant 0 : i32
        %dma_start3A_677 = tpu.memref_slice %arg4[%add3A_671, %dma_start3A_675, %dma_start3A_676] : memref<4096x50x128xf32, #tpu.memory_space<hbm>> -> memref<8x50x128xf32, #tpu.memory_space<hbm>>
        tpu.enqueue_dma source(%arg7 : memref<8x50x128xf32, #tpu.memory_space<vmem>>) target(%dma_start3A_677 : memref<8x50x128xf32, #tpu.memory_space<hbm>>) target_semaphore(%arg10 : memref<!tpu.dma_semaphore, #tpu.memory_space<semaphore_mem>>)
      } else {
      }
    }
    %scan3A_404 = arith.constant 14 : i32
    %dma_wait3A_405 = arith.constant 0 : i32
    %dma_wait3A_406 = arith.constant 0 : i32
    %dma_wait3A_407 = tpu.memref_slice %arg4[%mul3A_2, %dma_wait3A_405, %dma_wait3A_406] : memref<4096x50x128xf32, #tpu.memory_space<hbm>> -> memref<8x50x128xf32, #tpu.memory_space<hbm>>
    %dma_wait3A_408 = arith.constant 0 : i32
    %dma_wait3A_409 = arith.constant 0 : i32
    %dma_wait3A_410 = tpu.memref_slice %arg4[%mul3A_2, %dma_wait3A_408, %dma_wait3A_409] : memref<4096x50x128xf32, #tpu.memory_space<hbm>> -> memref<8x50x128xf32, #tpu.memory_space<hbm>>
    tpu.wait_dma2 semaphore(%arg9 : memref<!tpu.dma_semaphore, #tpu.memory_space<semaphore_mem>>) src(%arg6 : memref<8x50x128xf32, #tpu.memory_space<vmem>>) dst(%dma_wait3A_410 : memref<8x50x128xf32, #tpu.memory_space<hbm>>)
    %dma_wait3A_411 = arith.constant 0 : i32
    %dma_wait3A_412 = arith.constant 0 : i32
    %dma_wait3A_413 = tpu.memref_slice %arg4[%mul3A_2, %dma_wait3A_411, %dma_wait3A_412] : memref<4096x50x128xf32, #tpu.memory_space<hbm>> -> memref<8x50x128xf32, #tpu.memory_space<hbm>>
    %dma_wait3A_414 = arith.constant 0 : i32
    %dma_wait3A_415 = arith.constant 0 : i32
    %dma_wait3A_416 = tpu.memref_slice %arg4[%mul3A_2, %dma_wait3A_414, %dma_wait3A_415] : memref<4096x50x128xf32, #tpu.memory_space<hbm>> -> memref<8x50x128xf32, #tpu.memory_space<hbm>>
    tpu.wait_dma2 semaphore(%arg10 : memref<!tpu.dma_semaphore, #tpu.memory_space<semaphore_mem>>) src(%arg7 : memref<8x50x128xf32, #tpu.memory_space<vmem>>) dst(%dma_wait3A_416 : memref<8x50x128xf32, #tpu.memory_space<hbm>>)
    return
  }
}

module attributes {stable_mosaic.version = 14 : i64} {
  func.func @_prescale_body(%arg0: i32, %arg1: memref<10000x128xf32, #tpu.memory_space<vmem>>, %arg2: memref<10000x128xf32, #tpu.memory_space<vmem>>) attributes {dimension_semantics = [#tpu.dimension_semantics<arbitrary>], iteration_bounds = array<i64: 10>, scalar_prefetch = 0 : i64, scratch_operands = 0 : i64, tpu.core_type = #tpu.core_type<tc>, window_params = [{transform_indices = @transform_0, window_bounds = array<i64: 10000, 128>}, {transform_indices = @transform_1, window_bounds = array<i64: 10000, 128>}]} {
    %get3A = arith.constant 0 : index
    %get3A_0 = arith.constant 0 : index
    %get3A_1 = vector.load %arg1[%get3A, %get3A_0] : memref<10000x128xf32, #tpu.memory_space<vmem>>, vector<10000x128xf32>
    %mul3A = arith.mulf %get3A_1, %get3A_1 : vector<10000x128xf32>
    %reduce_sum3A = arith.constant dense<0.000000e+00> : vector<10000xf32>
    %reduce_sum3A_2 = vector.multi_reduction <add>, %mul3A, %reduce_sum3A [1] : vector<10000x128xf32> to vector<10000xf32>
    %broadcast_in_dim3A = vector.shape_cast %reduce_sum3A_2 : vector<10000xf32> to vector<10000x1xf32>
    %sqrt3A = math.sqrt %broadcast_in_dim3A : vector<10000x1xf32>
    %gt3A = arith.constant 1.000000e+02 : f32
    %gt3A_3 = vector.broadcast %gt3A : f32 to vector<10000x1xf32>
    %gt3A_4 = arith.cmpf ogt, %sqrt3A, %gt3A_3 : vector<10000x1xf32>
    %add3A = arith.constant 1.000000e-07 : f32
    %add3A_5 = vector.broadcast %add3A : f32 to vector<10000x1xf32>
    %add3A_6 = arith.addf %sqrt3A, %add3A_5 : vector<10000x1xf32>
    %div3A = arith.constant 1.000000e+02 : f32
    %div3A_7 = vector.broadcast %div3A : f32 to vector<10000x1xf32>
    %div3A_8 = arith.divf %div3A_7, %add3A_6 : vector<10000x1xf32>
    %jit3A = arith.constant 1.000000e+00 : f32
    %broadcast_in_dim3A_9 = vector.broadcast %jit3A : f32 to vector<10000x1xf32>
    %select_n3A = arith.select %gt3A_4, %div3A_8, %broadcast_in_dim3A_9 : vector<10000x1xi1>, vector<10000x1xf32>
    %mul3A_10 = vector.broadcast %select_n3A : vector<10000x1xf32> to vector<10000x128xf32>
    %mul3A_11 = arith.mulf %get3A_1, %mul3A_10 : vector<10000x128xf32>
    %swap3A = arith.constant 0 : index
    %swap3A_12 = arith.constant 0 : index
    %swap3A_13 = vector.load %arg2[%swap3A, %swap3A_12] : memref<10000x128xf32, #tpu.memory_space<vmem>>, vector<10000x128xf32>
    tpu.vector_store %arg2[%swap3A, %swap3A_12], %mul3A_11 {strides = array<i32>} : memref<10000x128xf32, #tpu.memory_space<vmem>>, vector<10000x128xf32>,
    return
  }
  func.func @transform_0(%arg0: i32) -> (i32, i32) {
    %c0_i32 = arith.constant 0 : i32
    %c0_i32_0 = arith.constant 0 : i32
    return %arg0, %c0_i32 : i32, i32
  }
  func.func @transform_1(%arg0: i32) -> (i32, i32) {
    %c0_i32 = arith.constant 0 : i32
    %c0_i32_0 = arith.constant 0 : i32
    return %arg0, %c0_i32 : i32, i32
  }
}

</mosaic_0001>

<sc_bundles>
// kernel: kernel.4.cloned.1.call-start
scs
__scs_entry_jumppad:
0x0: {  	(pc) =	sbr.rel $0x88, $3  }
0x1: {  	(tag) =	ssettag $0x0;
	lr =	simm.s32 $0x1  }
0x2: {  	[smem:$0x3F9F] =	sst lr;
	_ =	strace $0xD0000000  }
0x3: {  	_ = 	snop  }
0x4: {  	_ = 	snop  }
0x5: {  	_ = 	snop  }
0x6: {  	_ = 	snop  }
0x7: {  	_ = 	snop  }
__scs_overlays_trampoline_lowered:
0x8: {  	[smem:$0x3FAE] =	sst s0  }
0x9: {  	[smem:$0x3FAF] =	sst s1  }
0xa: {  	[smem:$0x3FB0] =	sst s2  }
0xb: {  	[smem:$0x3FB1] =	sst s3  }
0xc: {  	[smem:$0x3FB2] =	sst s4  }
0xd: {  	[smem:$0x3FB3] =	sst s5  }
0xe: {  	[smem:$0x3FB4] =	sst s6  }
0xf: {  	[smem:$0x3FB5] =	sst s7  }
0x10: {  	[smem:$0x3FB6] =	sst s8  }
0x11: {  	[smem:$0x3FB7] =	sst s9;
	s0 =	simm.s32 @!p0 $0x0  }
0x12: {  	s1 =	sld [smem:$0x3F9D];
	s0 =	simm.s32 @p0 $0x1  }
0x13: {  	[smem:$0x3FB8] =	sst s0;
	s0 =	simm.s32 @!p1 $0x0  }
0x14: {  	s2 =	sld [smem:$0x3F9C];
	s0 =	simm.s32 @p1 $0x1  }
0x15: {  	[smem:$0x3FB9] =	sst s0;
	s0 =	simm.s32 @!p2 $0x0  }
0x16: {  	s3 =	sld [smem:$0x3FDB];
	s0 =	simm.s32 @p2 $0x1  }
0x17: {  	s4 =	simm.s32 $0x1BF5;
	[smem:$0x3FBB] =	sst s0  }
0x18: {  	s0 =	sld [smem:$0x3F9E];
	_ =	swait.ge [sflag:s4], $0x0  }
0x19: {  	s7 =	sld [smem:$0x3F9F]  }
0x1a: {  	s8 =	sadd.s32 $0xFFFFE003, lr  }
0x1b: {  	s9 =	sadd.s32 $0xFFFFFEF7, lr;
	s5 =	simm.s32 $0xFFFFFFFF;
	p2 =	slt.u32 s8, $0xFFFFF086  }
0x1c: {  	p1 =	slt.u32 s9, $0xF7A;
	s5 =	simm.s32 @!p2 $0x0  }
0x1d: {  	s5 =	simm.s32 @p1 $0x1;
	p0 =	seq.s32 s7, s2  }
0x1e: {  	s7 =	smul.u32 @!p0 $0xF7A, s2;
	p2 =	seq.s32 @!p0 s5, $0x0  }
0x1f: {  	s9 =	smul.u32 $0xF7A, s1;
	s8 =	simm.s32 @!p0 $0x1BF5;
	p2 =	por !p2, p0  }
0x20: {  	[sflag:s8] =	ssyncset.s32 @!p0 $0xFFFFF086;
	s6 =	sadd.s32 @!p0 s3, s7;
	s7 =	simm.s32 @!p0 $0x108  }
0x21: {  	s3 =	sadd.s32 s3, s9;
	s6 =	sadd.s32 @!p0 $0x88, s6;
	s7 =	simm.s32 @p2 $0x1082  }
0x22: {  	[simem:s7], [sflag:s8] =	dma.local @!p0 [hbm:s6], $0xF7A  }
0x23: {  	s9 =	sor.u32 $0xD0000000, s2;
	s6 =	simm.s32 $0x108;
	_ =	swait.ge @!p0 [sflag:s8], $0x0  }
0x24: {  	s3 =	sadd.s32 $0x88, s3;
	s6 =	simm.s32 @!p1 $0x1082;
	[sflag:s4] =	ssyncset.s32 $0xFFFFF086  }
0x25: {  	[simem:s6], [sflag:s4] =	dma.local [hbm:s3], $0xF7A  }
0x26: {  	[smem:$0x3F9F] =	sst s1;
	(tag) =	ssettag s2;
	_ =	strace s9  }
0x27: {  	s1 =	sld [smem:$0x3FAF]  }
0x28: {  	s2 =	sld [smem:$0x3FB0]  }
0x29: {  	s4 =	sld [smem:$0x3FB2]  }
0x2a: {  	p0 =	seq.s32 s5, $0x0;
	s5 =	sld [smem:$0x3FB3]  }
0x2b: {  	s6 =	sld [smem:$0x3FB4]  }
0x2c: {  	s7 =	sld [smem:$0x3FB5]  }
0x2d: {  	s3 =	simm.s32 $0x108;
	s8 =	sld [smem:$0x3FB6]  }
0x2e: {  	s3 =	simm.s32 @!p0 $0x1082;
	s9 =	sld [smem:$0x3FB7]  }
0x2f: {  	lr =	sadd.s32 s0, s3;
	s0 =	sld [smem:$0x3FAE]  }
0x30: {  	s3 =	sld [smem:$0x3FB1]  }
0x31: {  	[smem:$0x3FBA] =	sst s10  }
0x32: {  	s10 =	sld [smem:$0x3FB8];
	_ =	sdelay $0x3  }
0x33: {  	p0 =	seq.s32 s10, $0x1;
	s10 =	sld [smem:$0x3FBA];
	_ =	sdelay $0x3  }
0x34: {  	[smem:$0x3FBA] =	sst s10  }
0x35: {  	s10 =	sld [smem:$0x3FB9];
	_ =	sdelay $0x3  }
0x36: {  	p1 =	seq.s32 s10, $0x1;
	s10 =	sld [smem:$0x3FBA];
	_ =	sdelay $0x3  }
0x37: {  	[smem:$0x3FBA] =	sst s10  }
0x38: {  	s10 =	sld [smem:$0x3FBB]  }
0x39: {  	_ = 	snop;
	(pc) =	sbr.ind lr, $3  }
0x3a: {  	_ = 	snop  }
0x3b: {  	_ = 	snop  }
0x3c: {  	p2 =	seq.s32 s10, $0x1;
	s10 =	sld [smem:$0x3FBA]  }
0x3d: {  	_ =	shalt  }
0x3e: {  	_ =	shalt  }
0x3f: {  	_ =	shalt  }
0x40: {  	_ =	shalt  }
0x41: {  	_ =	shalt  }
0x42: {  	_ =	shalt  }
0x43: {  	_ =	shalt  }
0x44: {  	_ =	shalt  }
0x45: {  	_ =	shalt  }
0x46: {  	_ =	shalt  }
0x47: {  	_ =	shalt  }
0x48: {  	_ =	shalt  }
0x49: {  	_ =	shalt  }
0x4a: {  	_ =	shalt  }
0x4b: {  	_ =	shalt  }
0x4c: {  	_ =	shalt  }
0x4d: {  	_ =	shalt  }
0x4e: {  	_ =	shalt  }
0x4f: {  	_ =	shalt  }
0x50: {  	_ =	shalt  }
0x51: {  	_ =	shalt  }
0x52: {  	_ =	shalt  }
0x53: {  	_ =	shalt  }
0x54: {  	_ =	shalt  }
0x55: {  	_ =	shalt  }
0x56: {  	_ =	shalt  }
0x57: {  	_ =	shalt  }
0x58: {  	_ =	shalt  }
0x59: {  	_ =	shalt  }
0x5a: {  	_ =	shalt  }
0x5b: {  	_ =	shalt  }
0x5c: {  	_ =	shalt  }
0x5d: {  	_ =	shalt  }
0x5e: {  	_ =	shalt  }
0x5f: {  	_ =	shalt  }
0x60: {  	_ =	shalt  }
0x61: {  	_ =	shalt  }
0x62: {  	_ =	shalt  }
0x63: {  	_ =	shalt  }
0x64: {  	_ =	shalt  }
0x65: {  	_ =	shalt  }
0x66: {  	_ =	shalt  }
0x67: {  	_ =	shalt  }
0x68: {  	_ =	shalt  }
0x69: {  	_ =	shalt  }
0x6a: {  	_ =	shalt  }
0x6b: {  	_ =	shalt  }
0x6c: {  	_ =	shalt  }
0x6d: {  	_ =	shalt  }
0x6e: {  	_ =	shalt  }
0x6f: {  	_ =	shalt  }
0x70: {  	_ =	shalt  }
0x71: {  	_ =	shalt  }
0x72: {  	_ =	shalt  }
0x73: {  	_ =	shalt  }
0x74: {  	_ =	shalt  }
0x75: {  	_ =	shalt  }
0x76: {  	_ =	shalt  }
0x77: {  	_ =	shalt  }
0x78: {  	_ =	shalt  }
0x79: {  	_ =	shalt  }
0x7a: {  	_ =	shalt  }
0x7b: {  	_ =	shalt  }
0x7c: {  	_ =	shalt  }
0x7d: {  	_ =	shalt  }
0x7e: {  	_ =	shalt  }
0x7f: {  	_ =	shalt  }
0x80: {  	_ =	shalt  }
0x81: {  	_ =	shalt  }
0x82: {  	_ =	shalt  }
0x83: {  	_ =	shalt  }
0x84: {  	_ =	shalt  }
0x85: {  	_ =	shalt  }
0x86: {  	_ =	shalt  }
0x87: {  	_ =	shalt  }
.Lfunc_end0:
.L_simem_size_0:
called_computation_lowered:
.L_overlay_start_0:
0x88: {  	s2 =	sld [smem:$0x3FD9]  }
0x89: {  	s3 =	sld [smem:$0x3FFE];
	_ =	sdelay $0x1  }
0x8a: {  	s1 =	srdreg.scid  }
0x8b: {  	s0 =	sand.u32 $0x1, s1  }
0x8c: {  	s17 =	sshll.u32 s0, $0xA;
	s2 =	sadd.s32 s3, s2  }
0x8d: {  	s2 =	sadd.s32 s2, s17  }
0x8e: {  	[smem:$0x3FC6] =	sst s2  }
0x8f: {  	_ = 	snop  }
0x90: {  	s2 =	sld [smem:$0x3FD0];
	(tm) =	ssettm $0x1  }
0x91: {  	s18 =	sld [smem:$0x3FFB];
	_ =	sdelay $0x3  }
0x92: {  	_ =	strace s18  }
0x93: {  	s3 =	sld [smem:$0x3FFC];
	_ =	sdelay $0x3  }
0x94: {  	_ =	strace s3  }
0x95: {  	s3 =	sld [smem:$0x3FFD];
	_ =	sdelay $0x3  }
0x96: {  	_ =	strace s3  }
0x97: {  	_ =	strace $0x8FFFFFFF  }
0x98: {  	s19 =	sld [smem:$0x3FDB];
	_ =	sdelay $0x1  }
0x99: {  	s4 =	simm.s32 $_scs_section_size  }
0x9a: {  	s5 =	simm.s32 $_size__tile_overlayer_lowered;
	s6 =	simm.s32 $_tile_overlayer_lowered  }
0x9b: {  	s22 =	simm.s32 $0x1BFF;
	s21 =	sshll.u32 s6, $0x1;
	s3 =	sadd.s32 s4, s19  }
0x9c: {  	s7 =	simm.s32 $0x0;
	s20 =	sshll.u32 s5, $0x1;
	s5 =	sadd.s32 s21, s3  }
0x9d: {  	[timem:s7], [sflag:s22] =	dma.local [hbm:s5], s20  }
0x9e: {  	_ =	swait.ge [sflag:s22], s20  }
0x9f: {  	s4 =	ssub.s32 $0x0, s20;
	[sflag:s22] =	ssyncset.done $0x0  }
0xa0: {  	[sflag:s22] =	ssyncadd.s32 s4;
	_ =	sdelay $0x1  }
0xa1: {  	s23 =	simm.s32 $0x1B8B  }
0xa2: {  	_ =	swait.ge [sflag:s23], $0x1  }
0xa3: {  	[sflag:s23] =	ssyncset.done $0x0  }
0xa4: {  	s25 =	simm.s32 $0x1B8E;
	s24 =	sld [smem:$0x3FFE];
	[sflag:s23] =	ssyncadd.s32 $0xFFFFFFFF  }
0xa5: {  	s26 =	simm.s32 $execute0_lowered;
	[smem:$0x3FD2] =	sst s25  }
0xa6: {  	s5 =	sshll.u32 s26, $0x1;
	_ =	strace $0x80000046;
	[dreg:$0x1] =	wrdreg $0xFFFFFFFF  }
0xa7: {  	s28 =	simm.s32 $_size_execute0_lowered;
	s3 =	sadd.s32 s3, s5;
	[dreg:$0x0] =	wrdreg $0x0  }
0xa8: {  	s5 =	sshll.u32 s28, $0x1;
	[dreg:$0x2] =	wrdreg s3  }
0xa9: {  	[dreg:$0x3] =	wrdreg s5  }
0xaa: {  	[dreg:$0x4] =	wrdreg $0xC0  }
0xab: {  	_ =	task [dreg:s7], $0x5FFFF  }
0xac: {  	[dreg:$0x1] =	wrdreg $0xFFFFFFFF  }
0xad: {  	[dreg:$0x0] =	wrdreg $0x60  }
0xae: {  	[dreg:$0x2] =	wrdreg s2  }
0xaf: {  	[dreg:$0x3] =	wrdreg s24  }
0xb0: {  	[dreg:$0x4] =	wrdreg $0x9  }
0xb1: {  	_ =	task.clear_ibuf [dreg:s7], $0x5FFFF;
	_ =	strace $0x90000046  }
0xb2: {  	s29 =	simm.s32 $0x9;
	_ =	strace $0x80000048  }
0xb3: {  	_ =	swait.ge [sflag:s29], $0x1  }
0xb4: {  	[sflag:s29] =	ssyncadd.s32 $0xFFFFFFFF  }
0xb5: {  	_ =	strace $0x90000048  }
0xb6: {  	_ =	sfence  }
0xb7: {  	s30 =	sld [smem:$0x0];
	_ =	sdelay $0x2  }
0xb8: {  	s31 =	sshll.u32 s1, $0xD;
	s1 =	sshrl.u32 s1, $0x2  }
0xb9: {  	s3 =	sand.u32 $0x4000, s31;
	s1 =	sadd.s32 s1, s30  }
0xba: {  	s0 =	sor.u32 s3, s0;
	s1 =	sshll.u32 s1, $0x11  }
0xbb: {  	s0 =	sor.u32 s1, s0  }
0xbc: {  	s0 =	sadd.s32 $0x8F2B, s0  }
0xbd: {  	[sflag:s0] =	ssyncadd.remote.s32 $0x1  }
0xbe: {  	_ =	sfence.sel $0xFFFF  }
0xbf: {  	[dreg:$0x0] =	wrdreg $0xFFFFFFFF;
	(pc) =	sbr.abs _section_cstart, $3  }
0xc0: {  	[dreg:$0x1] =	wrdreg $0xFFFFFFFF  }
0xc1: {  	_ =	task.clear_ibuf [dreg:s7], $0x2FFFF;
	_ =	strace $0x9FFFFFFF  }
0xc2: {  	(tm) =	ssettm $0x7FFFFFFF  }
0xc3: {  	_ =	shalt  }
tec
execute0_lowered:
.L_overlay_start_1:
0x0: {  	(tag) =	ssettag $0x1  }
0x1: {  	s2 =	rddreg [dreg:$0x0]  }
0x2: {  	s0 =	rddreg [dreg:$0x1]  }
0x3: {  	s1 =	srdreg.scid;
	s7 =	stileid.u32;
	s3 =	simm.s32 $0x0  }
0x4: {  	s9 =	simm.s32 $0x4;
	s10 =	simm.s32 $0x32;
	s11 =	simm.s32 $0x4000  }
0x5: {  	s13 =	simm.s32 $0x5C00;
	s15 =	simm.s32 $0x7800;
	s17 =	simm.s32 $0x9400  }
0x6: {  	s19 =	simm.s32 $0xB000;
	s21 =	simm.s32 $0xCC00;
	s23 =	simm.s32 $0xE800  }
0x7: {  	s25 =	simm.s32 $0x10400;
	s26 =	simm.s32 $0x1;
	s29 =	simm.s32 $0x12000  }
0x8: {  	s31 =	simm.s32 $0x13C00;
	s14 =	simm.s32 $0x17400;
	s18 =	simm.s32 $0x19000  }
0x9: {  	s22 =	simm.s32 $0x1AC00;
	s28 =	simm.s32 $0x1C800;
	s12 =	simm.s32 $0x3  }
0xa: {  	s16 =	simm.s32 $0x2;
	s20 =	simm.s32 $0x0;
	s1 =	sand.u32 $0x1, s1  }
0xb: {  	s4 =	sshll.u32 s7, $0x8;
	[smem:$0x7FF] =	sst s3;
	s7 =	smul.u32 $0x38000, s7  }
0xc: {  	s5 =	sshll.u32 s1, $0x7;
	_ =	strace $0x80000047;
	s6 =	ssub.s32 $0x2, s1  }
0xd: {  	s1 =	smul.u32 $0x1C000, s1;
	s4 =	sor.u32 s5, s4;
	s8 =	sshrl.u32 s6, $0x1  }
0xe: {  	s5 =	sshll.u32 s4, $0x4;
	s4 =	smul.u32 $0x380, s4;
	s8 =	ssub.s32 s6, s8  }
.Ltmp0:
0xf: {  	s5 =	sadd.s32 s5, s0;
	s0 =	sadd.s32 $0x10400, s0;
	(pc) =	sbr.rel .LBB2_1-.Ltmp0, $4  }
0x10: {  	s30 =	smax.u32 s8, $0x1;
	s4 =	sadd.s32 s0, s4;
	s0 =	sadd.s32 s7, s0  }
0x11: {  	s5 =	sadd.s32 $0x400, s5;
	[dreg:$0x4] =	wrdreg s30;
	s0 =	sadd.s32 s1, s0  }
0x12: {  	[dreg:$0x3] =	wrdreg s5;
	s6 =	sadd.s32 $0x1C00, s4;
	s0 =	sadd.s32 $0x3800, s0  }
0x13: {  	s1 =	simm.s32 $0x15800;
	[dreg:$0x5] =	wrdreg s0;
	s0 =	simm.s32 $0x1E400  }
.LBB2_6:
0x14: {  	_ =	swait.ge [sflag:s16], $0xC800  }
0x15: {  	[sflag:s16] =	ssyncset.done $0x0  }
0x16: {  	[sflag:s16] =	ssyncadd.s32 $0xFFFF3800  }
0x17: {  	_ =	swait.ge [sflag:s12], $0xC800  }
0x18: {  	s20 =	sadd.s32 $0x1, s20;
	s5 =	rddreg [dreg:$0x4]  }
0x19: {  	p0 =	sne.s32 s20, s5  }
.Ltmp1:
0x1a: {  	_ = 	snop;
	(pc) =	sbr.rel @!p0 .LBB2_7-.Ltmp1, $3  }
0x1b: {  	_ =	sdelay $0x1  }
0x1c: {  	[sflag:s12] =	ssyncset.done $0x0  }
0x1d: {  	[sflag:s12] =	ssyncadd.s32 $0xFFFF3800  }
.LBB2_1:
0x1e: {  	s5 =	rddreg [dreg:$0x3]  }
0x1f: {  	[tilespmem:s3], [sflag:$0x4] =	stream.linear.gather [hbm4b:s5+s3], $0x4000, $0x38;
	v63 =	vld [tilespmem:$0x0]  }
0x20: {  	_ =	swait.ge [sflag:s9], $0x4000  }
0x21: {  	[sflag:s9] =	ssyncset.done $0x0  }
0x22: {  	[sflag:s9] =	ssyncadd.s32 $0xFFFFC000  }
0x23: {  	[tilespmem:s11], [sflag:$0x1] =	stream.indirect.gather [hbm4b:s2+s10], $0x80, s3, s10, $0xb8;
	v63 =	vld [tilespmem:$0x0]  }
0x24: {  	s8 =	simm.s32 $0x80  }
0x25: {  	[tilespmem:s13], [sflag:$0x1] =	stream.indirect.gather [hbm4b:s2+s10], $0x80, s8, s10, $0xb8;
	v63 =	vld [tilespmem:$0x0]  }
0x26: {  	s24 =	simm.s32 $0x100  }
0x27: {  	[tilespmem:s15], [sflag:$0x1] =	stream.indirect.gather [hbm4b:s2+s10], $0x80, s24, s10, $0xb8;
	v63 =	vld [tilespmem:$0x0]  }
0x28: {  	s7 =	simm.s32 $0x180  }
0x29: {  	[tilespmem:s17], [sflag:$0x1] =	stream.indirect.gather [hbm4b:s2+s10], $0x80, s7, s10, $0xb8;
	v63 =	vld [tilespmem:$0x0]  }
0x2a: {  	s8 =	simm.s32 $0x200  }
0x2b: {  	[tilespmem:s19], [sflag:$0x1] =	stream.indirect.gather [hbm4b:s2+s10], $0x80, s8, s10, $0xb8;
	v63 =	vld [tilespmem:$0x0]  }
0x2c: {  	s24 =	simm.s32 $0x280  }
0x2d: {  	[tilespmem:s21], [sflag:$0x1] =	stream.indirect.gather [hbm4b:s2+s10], $0x80, s24, s10, $0xb8;
	v63 =	vld [tilespmem:$0x0]  }
0x2e: {  	s7 =	simm.s32 $0x300  }
0x2f: {  	[tilespmem:s23], [sflag:$0x1] =	stream.indirect.gather [hbm4b:s2+s10], $0x80, s7, s10, $0xb8;
	v63 =	vld [tilespmem:$0x0]  }
0x30: {  	s8 =	simm.s32 $0x380  }
0x31: {  	[tilespmem:s25], [sflag:$0x1] =	stream.indirect.gather [hbm4b:s2+s10], $0x80, s8, s10, $0xb8;
	v63 =	vld [tilespmem:$0x0]  }
0x32: {  	_ =	swait.ge [sflag:s26], $0x1900  }
0x33: {  	[sflag:s26] =	ssyncset.done $0x0  }
0x34: {  	[sflag:s26] =	ssyncadd.s32 $0xFFFFE700  }
0x35: {  	_ =	swait.ge [sflag:s26], $0x1900  }
0x36: {  	[sflag:s26] =	ssyncset.done $0x0  }
0x37: {  	[sflag:s26] =	ssyncadd.s32 $0xFFFFE700  }
0x38: {  	_ =	swait.ge [sflag:s26], $0x1900  }
0x39: {  	[sflag:s26] =	ssyncset.done $0x0  }
0x3a: {  	[sflag:s26] =	ssyncadd.s32 $0xFFFFE700  }
0x3b: {  	_ =	swait.ge [sflag:s26], $0x1900  }
0x3c: {  	[sflag:s26] =	ssyncset.done $0x0  }
0x3d: {  	[sflag:s26] =	ssyncadd.s32 $0xFFFFE700  }
0x3e: {  	_ =	swait.ge [sflag:s26], $0x1900  }
0x3f: {  	[sflag:s26] =	ssyncset.done $0x0  }
0x40: {  	[sflag:s26] =	ssyncadd.s32 $0xFFFFE700  }
0x41: {  	_ =	swait.ge [sflag:s26], $0x1900  }
0x42: {  	[sflag:s26] =	ssyncset.done $0x0  }
0x43: {  	[sflag:s26] =	ssyncadd.s32 $0xFFFFE700  }
0x44: {  	_ =	swait.ge [sflag:s26], $0x1900  }
0x45: {  	[sflag:s26] =	ssyncset.done $0x0  }
0x46: {  	[sflag:s26] =	ssyncadd.s32 $0xFFFFE700  }
0x47: {  	_ =	swait.ge [sflag:s26], $0x1900  }
0x48: {  	[sflag:s26] =	ssyncset.done $0x0  }
0x49: {  	[sflag:s26] =	ssyncadd.s32 $0xFFFFE700  }
0x4a: {  	[hbm4b:s4+s3] =	stream.linear.scatter [tilespmem:s11], [sflag:$0x2], $0x1900, $0x38;
	v63 =	vld [tilespmem:$0x0]  }
0x4b: {  	s24 =	sadd.s32 $0x380, s4  }
0x4c: {  	[hbm4b:s24+s3] =	stream.linear.scatter [tilespmem:s13], [sflag:$0x2], $0x1900, $0x38;
	v63 =	vld [tilespmem:$0x0]  }
0x4d: {  	s7 =	sadd.s32 $0x700, s4  }
0x4e: {  	[hbm4b:s7+s3] =	stream.linear.scatter [tilespmem:s15], [sflag:$0x2], $0x1900, $0x38;
	v63 =	vld [tilespmem:$0x0]  }
0x4f: {  	s8 =	sadd.s32 $0xA80, s4  }
0x50: {  	[hbm4b:s8+s3] =	stream.linear.scatter [tilespmem:s17], [sflag:$0x2], $0x1900, $0x38;
	v63 =	vld [tilespmem:$0x0]  }
0x51: {  	s24 =	sadd.s32 $0xE00, s4  }
0x52: {  	[hbm4b:s24+s3] =	stream.linear.scatter [tilespmem:s19], [sflag:$0x2], $0x1900, $0x38;
	v63 =	vld [tilespmem:$0x0]  }
0x53: {  	s7 =	sadd.s32 $0x1180, s4  }
0x54: {  	[hbm4b:s7+s3] =	stream.linear.scatter [tilespmem:s21], [sflag:$0x2], $0x1900, $0x38;
	v63 =	vld [tilespmem:$0x0]  }
0x55: {  	s8 =	sadd.s32 $0x1500, s4  }
0x56: {  	[hbm4b:s8+s3] =	stream.linear.scatter [tilespmem:s23], [sflag:$0x2], $0x1900, $0x38;
	v63 =	vld [tilespmem:$0x0]  }
0x57: {  	s24 =	sadd.s32 $0x1880, s4  }
0x58: {  	[hbm4b:s24+s3] =	stream.linear.scatter [tilespmem:s25], [sflag:$0x2], $0x1900, $0x38;
	v63 =	vld [tilespmem:$0x0]  }
0x59: {  	s7 =	simm.s32 $0x400  }
0x5a: {  	[tilespmem:s29], [sflag:$0x1] =	stream.indirect.gather [hbm4b:s2+s10], $0x80, s7, s10, $0xb8;
	v63 =	vld [tilespmem:$0x0]  }
0x5b: {  	s8 =	simm.s32 $0x480  }
0x5c: {  	[tilespmem:s31], [sflag:$0x1] =	stream.indirect.gather [hbm4b:s2+s10], $0x80, s8, s10, $0xb8;
	v63 =	vld [tilespmem:$0x0]  }
0x5d: {  	s24 =	simm.s32 $0x500  }
0x5e: {  	[tilespmem:s1], [sflag:$0x1] =	stream.indirect.gather [hbm4b:s2+s10], $0x80, s24, s10, $0xb8;
	v63 =	vld [tilespmem:$0x0]  }
0x5f: {  	s7 =	simm.s32 $0x580  }
0x60: {  	[tilespmem:s14], [sflag:$0x1] =	stream.indirect.gather [hbm4b:s2+s10], $0x80, s7, s10, $0xb8;
	v63 =	vld [tilespmem:$0x0]  }
0x61: {  	s8 =	simm.s32 $0x600  }
0x62: {  	[tilespmem:s18], [sflag:$0x1] =	stream.indirect.gather [hbm4b:s2+s10], $0x80, s8, s10, $0xb8;
	v63 =	vld [tilespmem:$0x0]  }
0x63: {  	s24 =	simm.s32 $0x680  }
0x64: {  	[tilespmem:s22], [sflag:$0x1] =	stream.indirect.gather [hbm4b:s2+s10], $0x80, s24, s10, $0xb8;
	v63 =	vld [tilespmem:$0x0]  }
0x65: {  	s7 =	simm.s32 $0x700  }
0x66: {  	[tilespmem:s28], [sflag:$0x1] =	stream.indirect.gather [hbm4b:s2+s10], $0x80, s7, s10, $0xb8;
	v63 =	vld [tilespmem:$0x0]  }
0x67: {  	s8 =	simm.s32 $0x780  }
0x68: {  	[tilespmem:s0], [sflag:$0x1] =	stream.indirect.gather [hbm4b:s2+s10], $0x80, s8, s10, $0xb8;
	v63 =	vld [tilespmem:$0x0]  }
0x69: {  	_ =	swait.ge [sflag:s26], $0x1900  }
0x6a: {  	[sflag:s26] =	ssyncset.done $0x0  }
0x6b: {  	[sflag:s26] =	ssyncadd.s32 $0xFFFFE700  }
0x6c: {  	_ =	swait.ge [sflag:s26], $0x1900  }
0x6d: {  	[sflag:s26] =	ssyncset.done $0x0  }
0x6e: {  	[sflag:s26] =	ssyncadd.s32 $0xFFFFE700  }
0x6f: {  	_ =	swait.ge [sflag:s26], $0x1900  }
0x70: {  	[sflag:s26] =	ssyncset.done $0x0  }
0x71: {  	[sflag:s26] =	ssyncadd.s32 $0xFFFFE700  }
0x72: {  	_ =	swait.ge [sflag:s26], $0x1900  }
0x73: {  	[sflag:s26] =	ssyncset.done $0x0  }
0x74: {  	[sflag:s26] =	ssyncadd.s32 $0xFFFFE700  }
0x75: {  	_ =	swait.ge [sflag:s26], $0x1900  }
0x76: {  	[sflag:s26] =	ssyncset.done $0x0  }
0x77: {  	[sflag:s26] =	ssyncadd.s32 $0xFFFFE700  }
0x78: {  	_ =	swait.ge [sflag:s26], $0x1900  }
0x79: {  	[sflag:s26] =	ssyncset.done $0x0  }
0x7a: {  	[sflag:s26] =	ssyncadd.s32 $0xFFFFE700  }
0x7b: {  	_ =	swait.ge [sflag:s26], $0x1900  }
0x7c: {  	[sflag:s26] =	ssyncset.done $0x0  }
0x7d: {  	[sflag:s26] =	ssyncadd.s32 $0xFFFFE700  }
0x7e: {  	_ =	swait.ge [sflag:s26], $0x1900  }
0x7f: {  	[sflag:s26] =	ssyncset.done $0x0  }
0x80: {  	[sflag:s26] =	ssyncadd.s32 $0xFFFFE700  }
0x81: {  	[hbm4b:s6+s3] =	stream.linear.scatter [tilespmem:s29], [sflag:$0x3], $0x1900, $0x38;
	v63 =	vld [tilespmem:$0x0]  }
0x82: {  	s24 =	sadd.s32 $0x380, s6  }
0x83: {  	[hbm4b:s24+s3] =	stream.linear.scatter [tilespmem:s31], [sflag:$0x3], $0x1900, $0x38;
	v63 =	vld [tilespmem:$0x0]  }
0x84: {  	s7 =	sadd.s32 $0x700, s6  }
0x85: {  	[hbm4b:s7+s3] =	stream.linear.scatter [tilespmem:s1], [sflag:$0x3], $0x1900, $0x38;
	v63 =	vld [tilespmem:$0x0]  }
0x86: {  	s8 =	sadd.s32 $0xA80, s6  }
0x87: {  	[hbm4b:s8+s3] =	stream.linear.scatter [tilespmem:s14], [sflag:$0x3], $0x1900, $0x38;
	v63 =	vld [tilespmem:$0x0]  }
0x88: {  	s24 =	sadd.s32 $0xE00, s6  }
0x89: {  	[hbm4b:s24+s3] =	stream.linear.scatter [tilespmem:s18], [sflag:$0x3], $0x1900, $0x38;
	v63 =	vld [tilespmem:$0x0]  }
0x8a: {  	s7 =	sadd.s32 $0x1180, s6  }
0x8b: {  	[hbm4b:s7+s3] =	stream.linear.scatter [tilespmem:s22], [sflag:$0x3], $0x1900, $0x38;
	v63 =	vld [tilespmem:$0x0]  }
.Ltmp2:
0x8c: {  	_ = 	snop;
	(pc) =	sbr.rel .LBB2_2-.Ltmp2, $4  }
0x8d: {  	s30 =	simm.s32 $0x0;
	s8 =	sadd.s32 $0x1500, s6  }
0x8e: {  	[hbm4b:s8+s3] =	stream.linear.scatter [tilespmem:s28], [sflag:$0x3], $0x1900, $0x38;
	v63 =	vld [tilespmem:$0x0]  }
0x8f: {  	s5 =	simm.s32 $0x0;
	s24 =	sadd.s32 $0x1880, s6;
	s8 =	rddreg [dreg:$0x5]  }
0x90: {  	[hbm4b:s24+s3] =	stream.linear.scatter [tilespmem:s0], [sflag:$0x3], $0x1900, $0x38;
	v63 =	vld [tilespmem:$0x0]  }
.LBB2_4:
0x91: {  	_ =	swait.ge [sflag:s12], $0xC800  }
0x92: {  	[sflag:s12] =	ssyncset.done $0x0  }
0x93: {  	[sflag:s12] =	ssyncadd.s32 $0xFFFF3800  }
0x94: {  	[tilespmem:s29], [sflag:$0x1] =	stream.indirect.gather [hbm4b:s2+s10], $0x80, s24, s10, $0xb8;
	v63 =	vld [tilespmem:$0x0]  }
0x95: {  	s24 =	sadd.s32 $0x880, s7  }
0x96: {  	[tilespmem:s31], [sflag:$0x1] =	stream.indirect.gather [hbm4b:s2+s10], $0x80, s24, s10, $0xb8;
	v63 =	vld [tilespmem:$0x0]  }
0x97: {  	s24 =	sadd.s32 $0x900, s7  }
0x98: {  	[tilespmem:s1], [sflag:$0x1] =	stream.indirect.gather [hbm4b:s2+s10], $0x80, s24, s10, $0xb8;
	v63 =	vld [tilespmem:$0x0]  }
0x99: {  	s24 =	sadd.s32 $0x980, s7  }
0x9a: {  	[tilespmem:s14], [sflag:$0x1] =	stream.indirect.gather [hbm4b:s2+s10], $0x80, s24, s10, $0xb8;
	v63 =	vld [tilespmem:$0x0]  }
0x9b: {  	s24 =	sadd.s32 $0xA00, s7  }
0x9c: {  	[tilespmem:s18], [sflag:$0x1] =	stream.indirect.gather [hbm4b:s2+s10], $0x80, s24, s10, $0xb8;
	v63 =	vld [tilespmem:$0x0]  }
0x9d: {  	s24 =	sadd.s32 $0xA80, s7  }
0x9e: {  	[tilespmem:s22], [sflag:$0x1] =	stream.indirect.gather [hbm4b:s2+s10], $0x80, s24, s10, $0xb8;
	v63 =	vld [tilespmem:$0x0]  }
0x9f: {  	s24 =	sadd.s32 $0xB00, s7  }
0xa0: {  	[tilespmem:s28], [sflag:$0x1] =	stream.indirect.gather [hbm4b:s2+s10], $0x80, s24, s10, $0xb8;
	v63 =	vld [tilespmem:$0x0]  }
0xa1: {  	s24 =	sadd.s32 $0xB80, s7  }
0xa2: {  	[tilespmem:s0], [sflag:$0x1] =	stream.indirect.gather [hbm4b:s2+s10], $0x80, s24, s10, $0xb8;
	v63 =	vld [tilespmem:$0x0]  }
0xa3: {  	_ =	swait.ge [sflag:s26], $0x1900  }
0xa4: {  	[sflag:s26] =	ssyncset.done $0x0  }
0xa5: {  	[sflag:s26] =	ssyncadd.s32 $0xFFFFE700  }
0xa6: {  	_ =	swait.ge [sflag:s26], $0x1900  }
0xa7: {  	[sflag:s26] =	ssyncset.done $0x0  }
0xa8: {  	[sflag:s26] =	ssyncadd.s32 $0xFFFFE700  }
0xa9: {  	_ =	swait.ge [sflag:s26], $0x1900  }
0xaa: {  	[sflag:s26] =	ssyncset.done $0x0  }
0xab: {  	[sflag:s26] =	ssyncadd.s32 $0xFFFFE700  }
0xac: {  	_ =	swait.ge [sflag:s26], $0x1900  }
0xad: {  	[sflag:s26] =	ssyncset.done $0x0  }
0xae: {  	[sflag:s26] =	ssyncadd.s32 $0xFFFFE700  }
0xaf: {  	_ =	swait.ge [sflag:s26], $0x1900  }
0xb0: {  	[sflag:s26] =	ssyncset.done $0x0  }
0xb1: {  	[sflag:s26] =	ssyncadd.s32 $0xFFFFE700  }
0xb2: {  	_ =	swait.ge [sflag:s26], $0x1900  }
0xb3: {  	[sflag:s26] =	ssyncset.done $0x0  }
0xb4: {  	[sflag:s26] =	ssyncadd.s32 $0xFFFFE700  }
0xb5: {  	_ =	swait.ge [sflag:s26], $0x1900  }
0xb6: {  	[sflag:s26] =	ssyncset.done $0x0  }
0xb7: {  	[sflag:s26] =	ssyncadd.s32 $0xFFFFE700  }
0xb8: {  	_ =	swait.ge [sflag:s26], $0x1900  }
0xb9: {  	[sflag:s26] =	ssyncset.done $0x0  }
0xba: {  	[sflag:s26] =	ssyncadd.s32 $0xFFFFE700  }
0xbb: {  	[hbm4b:s8+s3] =	stream.linear.scatter [tilespmem:s29], [sflag:$0x3], $0x1900, $0x38;
	v63 =	vld [tilespmem:$0x0]  }
0xbc: {  	s24 =	sadd.s32 $0x380, s8  }
0xbd: {  	[hbm4b:s24+s3] =	stream.linear.scatter [tilespmem:s31], [sflag:$0x3], $0x1900, $0x38;
	v63 =	vld [tilespmem:$0x0]  }
0xbe: {  	s24 =	sadd.s32 $0x700, s8  }
0xbf: {  	[hbm4b:s24+s3] =	stream.linear.scatter [tilespmem:s1], [sflag:$0x3], $0x1900, $0x38;
	v63 =	vld [tilespmem:$0x0]  }
0xc0: {  	s24 =	sadd.s32 $0xA80, s8  }
0xc1: {  	[hbm4b:s24+s3] =	stream.linear.scatter [tilespmem:s14], [sflag:$0x3], $0x1900, $0x38;
	v63 =	vld [tilespmem:$0x0]  }
0xc2: {  	s24 =	sadd.s32 $0xE00, s8  }
0xc3: {  	[hbm4b:s24+s3] =	stream.linear.scatter [tilespmem:s18], [sflag:$0x3], $0x1900, $0x38;
	v63 =	vld [tilespmem:$0x0]  }
0xc4: {  	s24 =	sadd.s32 $0x1180, s8  }
0xc5: {  	[hbm4b:s24+s3] =	stream.linear.scatter [tilespmem:s22], [sflag:$0x3], $0x1900, $0x38;
	v63 =	vld [tilespmem:$0x0]  }
0xc6: {  	s24 =	sadd.s32 $0x1500, s8  }
0xc7: {  	[hbm4b:s24+s3] =	stream.linear.scatter [tilespmem:s28], [sflag:$0x3], $0x1900, $0x38;
	v63 =	vld [tilespmem:$0x0]  }
0xc8: {  	s24 =	sadd.s32 $0x1880, s8  }
0xc9: {  	[hbm4b:s24+s3] =	stream.linear.scatter [tilespmem:s0], [sflag:$0x3], $0x1900, $0x38;
	v63 =	vld [tilespmem:$0x0]  }
.LBB2_5:
0xca: {  	s30 =	sadd.s32 $0x1000, s30  }
0xcb: {  	p0 =	sne.s32 s30, $0xE000  }
.Ltmp3:
0xcc: {  	_ = 	snop;
	(pc) =	sbr.rel @!p0 .LBB2_6-.Ltmp3, $2  }
0xcd: {  	_ =	sdelay $0x2  }
0xce: {  	s5 =	sadd.s32 $0x1, s5;
	s8 =	sadd.s32 $0x1C00, s8  }
.LBB2_2:
0xcf: {  	s7 =	sand.u32 $0x1, s5  }
0xd0: {  	p0 =	seq.s32 s7, $0x1  }
.Ltmp4:
0xd1: {  	_ = 	snop;
	(pc) =	sbr.rel @p0 .LBB2_4-.Ltmp4, $3  }
0xd2: {  	_ =	sdelay $0x1  }
0xd3: {  	s7 =	sshra.s32 s30, $0x2  }
0xd4: {  	s24 =	sadd.s32 $0x800, s7  }
0xd5: {  	_ =	swait.ge [sflag:s16], $0xC800  }
0xd6: {  	[sflag:s16] =	ssyncset.done $0x0  }
0xd7: {  	[sflag:s16] =	ssyncadd.s32 $0xFFFF3800  }
0xd8: {  	[tilespmem:s11], [sflag:$0x1] =	stream.indirect.gather [hbm4b:s2+s10], $0x80, s24, s10, $0xb8;
	v63 =	vld [tilespmem:$0x0]  }
0xd9: {  	s24 =	sadd.s32 $0x880, s7  }
0xda: {  	[tilespmem:s13], [sflag:$0x1] =	stream.indirect.gather [hbm4b:s2+s10], $0x80, s24, s10, $0xb8;
	v63 =	vld [tilespmem:$0x0]  }
0xdb: {  	s24 =	sadd.s32 $0x900, s7  }
0xdc: {  	[tilespmem:s15], [sflag:$0x1] =	stream.indirect.gather [hbm4b:s2+s10], $0x80, s24, s10, $0xb8;
	v63 =	vld [tilespmem:$0x0]  }
0xdd: {  	s24 =	sadd.s32 $0x980, s7  }
0xde: {  	[tilespmem:s17], [sflag:$0x1] =	stream.indirect.gather [hbm4b:s2+s10], $0x80, s24, s10, $0xb8;
	v63 =	vld [tilespmem:$0x0]  }
0xdf: {  	s24 =	sadd.s32 $0xA00, s7  }
0xe0: {  	[tilespmem:s19], [sflag:$0x1] =	stream.indirect.gather [hbm4b:s2+s10], $0x80, s24, s10, $0xb8;
	v63 =	vld [tilespmem:$0x0]  }
0xe1: {  	s24 =	sadd.s32 $0xA80, s7  }
0xe2: {  	[tilespmem:s21], [sflag:$0x1] =	stream.indirect.gather [hbm4b:s2+s10], $0x80, s24, s10, $0xb8;
	v63 =	vld [tilespmem:$0x0]  }
0xe3: {  	s24 =	sadd.s32 $0xB00, s7  }
0xe4: {  	[tilespmem:s23], [sflag:$0x1] =	stream.indirect.gather [hbm4b:s2+s10], $0x80, s24, s10, $0xb8;
	v63 =	vld [tilespmem:$0x0]  }
0xe5: {  	s24 =	sadd.s32 $0xB80, s7  }
0xe6: {  	[tilespmem:s25], [sflag:$0x1] =	stream.indirect.gather [hbm4b:s2+s10], $0x80, s24, s10, $0xb8;
	v63 =	vld [tilespmem:$0x0]  }
0xe7: {  	_ =	swait.ge [sflag:s26], $0x1900  }
0xe8: {  	[sflag:s26] =	ssyncset.done $0x0  }
0xe9: {  	[sflag:s26] =	ssyncadd.s32 $0xFFFFE700  }
0xea: {  	_ =	swait.ge [sflag:s26], $0x1900  }
0xeb: {  	[sflag:s26] =	ssyncset.done $0x0  }
0xec: {  	[sflag:s26] =	ssyncadd.s32 $0xFFFFE700  }
0xed: {  	_ =	swait.ge [sflag:s26], $0x1900  }
0xee: {  	[sflag:s26] =	ssyncset.done $0x0  }
0xef: {  	[sflag:s26] =	ssyncadd.s32 $0xFFFFE700  }
0xf0: {  	_ =	swait.ge [sflag:s26], $0x1900  }
0xf1: {  	[sflag:s26] =	ssyncset.done $0x0  }
0xf2: {  	[sflag:s26] =	ssyncadd.s32 $0xFFFFE700  }
0xf3: {  	_ =	swait.ge [sflag:s26], $0x1900  }
0xf4: {  	[sflag:s26] =	ssyncset.done $0x0  }
0xf5: {  	[sflag:s26] =	ssyncadd.s32 $0xFFFFE700  }
0xf6: {  	_ =	swait.ge [sflag:s26], $0x1900  }
0xf7: {  	[sflag:s26] =	ssyncset.done $0x0  }
0xf8: {  	[sflag:s26] =	ssyncadd.s32 $0xFFFFE700  }
0xf9: {  	_ =	swait.ge [sflag:s26], $0x1900  }
0xfa: {  	[sflag:s26] =	ssyncset.done $0x0  }
0xfb: {  	[sflag:s26] =	ssyncadd.s32 $0xFFFFE700  }
0xfc: {  	_ =	swait.ge [sflag:s26], $0x1900  }
0xfd: {  	[sflag:s26] =	ssyncset.done $0x0  }
0xfe: {  	[sflag:s26] =	ssyncadd.s32 $0xFFFFE700  }
0xff: {  	[hbm4b:s8+s3] =	stream.linear.scatter [tilespmem:s11], [sflag:$0x2], $0x1900, $0x38;
	v63 =	vld [tilespmem:$0x0]  }
0x100: {  	s24 =	sadd.s32 $0x380, s8  }
0x101: {  	[hbm4b:s24+s3] =	stream.linear.scatter [tilespmem:s13], [sflag:$0x2], $0x1900, $0x38;
	v63 =	vld [tilespmem:$0x0]  }
0x102: {  	s24 =	sadd.s32 $0x700, s8  }
0x103: {  	[hbm4b:s24+s3] =	stream.linear.scatter [tilespmem:s15], [sflag:$0x2], $0x1900, $0x38;
	v63 =	vld [tilespmem:$0x0]  }
0x104: {  	s24 =	sadd.s32 $0xA80, s8  }
0x105: {  	[hbm4b:s24+s3] =	stream.linear.scatter [tilespmem:s17], [sflag:$0x2], $0x1900, $0x38;
	v63 =	vld [tilespmem:$0x0]  }
0x106: {  	s24 =	sadd.s32 $0xE00, s8  }
0x107: {  	[hbm4b:s24+s3] =	stream.linear.scatter [tilespmem:s19], [sflag:$0x2], $0x1900, $0x38;
	v63 =	vld [tilespmem:$0x0]  }
0x108: {  	s24 =	sadd.s32 $0x1180, s8  }
0x109: {  	[hbm4b:s24+s3] =	stream.linear.scatter [tilespmem:s21], [sflag:$0x2], $0x1900, $0x38;
	v63 =	vld [tilespmem:$0x0]  }
.Ltmp5:
0x10a: {  	_ = 	snop;
	(pc) =	sbr.rel .LBB2_5-.Ltmp5, $4  }
0x10b: {  	s24 =	sadd.s32 $0x1500, s8  }
0x10c: {  	[hbm4b:s24+s3] =	stream.linear.scatter [tilespmem:s23], [sflag:$0x2], $0x1900, $0x38;
	v63 =	vld [tilespmem:$0x0]  }
0x10d: {  	s24 =	sadd.s32 $0x1880, s8  }
0x10e: {  	[hbm4b:s24+s3] =	stream.linear.scatter [tilespmem:s25], [sflag:$0x2], $0x1900, $0x38;
	v63 =	vld [tilespmem:$0x0]  }
.LBB2_7:
0x10f: {  	_ =	sfence.sel $0x180000  }
0x110: {  	[bflag:$0x0] =	sbarrier.arrive $0xFFFF  }
0x111: {  	_ =	strace $0x90000047  }
0x112: {  	s0 =	stileid.u32;
	[bflag:$0x2] =	sbarrier.arrive $0xFFFF  }
0x113: {  	p0 =	sne.s32 s0, $0x0;
	s0 =	rddreg [dreg:$0x2]  }
0x114: {  	s0 =	sadd.s32 @!p0 $0x100000, s0  }
0x115: {  	[sflag:s0] =	ssyncadd.tile.s32 @!p0 $0x1;
	_ =	shalt  }
.Lfunc_end2:
_tile_overlayer_lowered:
.L_overlay_start_2:
0x116: {  	(tag) =	ssettag $0x2  }
0x117: {  	s0 =	rddreg [dreg:$0x0];
	s2 =	stileid.u32  }
0x118: {  	s1 =	rddreg [dreg:$0x1];
	p0 =	sne.s32 s2, $0x0  }
0x119: {  	s3 =	rddreg [dreg:$0x2];
	[bflag:$0x3] =	sbarrier.arrive $0xFFFF;
	s2 =	simm.s32 @!p0 $0x1C04  }
0x11a: {  	[timem:s3], [sflag:s2] =	dma.local @!p0 [hbm:s0], s1  }
0x11b: {  	s0 =	simm.s32 @!p0 $0x4  }
0x11c: {  	_ =	swait.ge @!p0 [sflag:s0], s1  }
0x11d: {  	s1 =	ssub.s32 @!p0 $0x0, s1;
	[sflag:s0] =	ssyncset.done @!p0 $0x0  }
0x11e: {  	[sflag:s0] =	ssyncadd.s32 @!p0 s1  }
0x11f: {  	[bflag:$0x3] =	sbarrier.arrive $0xFFFF  }
0x120: {  	_ =	shalt  }

</sc_bundles>
